<compile_context>
chip_gen: v7x
topology: tpu7x:2x2x1
jax: 0.10.2.dev20260603
libtpu: 0.0.44.dev20260713+nightly
codegen_flags: <defaults>
</compile_context>

<pallas_src>
import jax
import jax.numpy as jnp
from jax import lax
from jax.experimental import pallas as pl
from jax.experimental.pallas import tpu as pltpu
from jax.experimental.pallas import tpu_sc as plsc

N_ENTITIES = 100000
DIM = 128
LANES = 16
NC = 2
NS = 16
NW = NC * NS

CHUNK = 400


def _permute(x, idx):
    dnums = lax.GatherDimensionNumbers(
        offset_dims=(), collapsed_slice_dims=(0,), start_index_map=(0,))
    return lax.gather(
        x, idx[:, None], dimension_numbers=dnums, slice_sizes=(1,),
        mode=lax.GatherScatterMode.PROMISE_IN_BOUNDS)


def _rsqrt(tv):
    iv = plsc.bitcast(tv, jnp.int32)
    iv = jnp.int32(0x5F3759DF) - (iv >> 1)
    y = plsc.bitcast(iv, jnp.float32)
    y = y * (1.5 - (tv * 0.5) * y * y)
    y = y * (1.5 - (tv * 0.5) * y * y)
    return y


def _normalize_chunk(rows_v):
    last = jnp.full((LANES,), LANES - 1, jnp.int32)

    @plsc.parallel_loop(0, CHUNK, 1, unroll=2)
    def row_body(r):
        vs = [rows_v[r, pl.ds(j * LANES, LANES)] for j in range(DIM // LANES)]
        acc = vs[0] * vs[0]
        for v in vs[1:]:
            acc = acc + v * v
        total = _permute(plsc.cumsum(acc), last)
        total = jnp.maximum(total, jnp.float32(1e-24))
        scale = _rsqrt(total)
        for j, v in enumerate(vs):
            rows_v[r, pl.ds(j * LANES, LANES)] = v * scale


def _body(ids_hbm, table_hbm, out_hbm,
          idx_a, idx_b, rows_a, rows_b,
          sem_ga, sem_gb, sem_sa, sem_sb):
    wid = lax.axis_index("s") * NC + lax.axis_index("c")
    b_per_w = ids_hbm.shape[0] // NW
    n_chunks = b_per_w // CHUNK
    base_w = wid * b_per_w

    idx = [idx_a, idx_b]
    rows = [rows_a, rows_b]
    sem_g = [sem_ga, sem_gb]
    sem_s = [sem_sa, sem_sb]

    pltpu.sync_copy(ids_hbm.at[pl.ds(base_w, CHUNK)], idx[0])
    pltpu.async_copy(table_hbm.at[idx[0]], rows[0], sem_g[0])

    def pair_body(cp, carry):
        for cur in (0, 1):
            nxt = 1 - cur
            ci = cp * 2 + cur
            base = base_w + ci * CHUNK

            @pl.when(ci > 0)
            def _():
                pltpu.make_async_copy(
                    rows[nxt], out_hbm.at[pl.ds(base - CHUNK, CHUNK)],
                    sem_s[nxt]).wait()

            @pl.when(ci + 1 < n_chunks)
            def _():
                pltpu.sync_copy(ids_hbm.at[pl.ds(base + CHUNK, CHUNK)],
                                idx[nxt])
                pltpu.async_copy(table_hbm.at[idx[nxt]], rows[nxt],
                                 sem_g[nxt])

            pltpu.make_async_copy(table_hbm.at[idx[cur]], rows[cur],
                                  sem_g[cur]).wait()
            _normalize_chunk(rows[cur])
            pltpu.async_copy(rows[cur], out_hbm.at[pl.ds(base, CHUNK)],
                             sem_s[cur])
        return carry

    lax.fori_loop(0, n_chunks // 2, pair_body, 0, unroll=False)

    last = n_chunks - 1
    pltpu.make_async_copy(
        rows[1], out_hbm.at[pl.ds(base_w + last * CHUNK, CHUNK)],
        sem_s[1]).wait()


@jax.jit
def _lookup_normalize(ids_flat, table):
    b = ids_flat.shape[0]
    mesh = plsc.VectorSubcoreMesh(core_axis_name="c", subcore_axis_name="s")
    return pl.kernel(
        _body,
        out_type=jax.ShapeDtypeStruct((b, DIM), jnp.float32),
        mesh=mesh,
        compiler_params=pltpu.CompilerParams(needs_layout_passes=False),
        scratch_types=[
            pltpu.VMEM((CHUNK,), jnp.int32),
            pltpu.VMEM((CHUNK,), jnp.int32),
            pltpu.VMEM((CHUNK, DIM), jnp.float32),
            pltpu.VMEM((CHUNK, DIM), jnp.float32),
            pltpu.SemaphoreType.DMA,
            pltpu.SemaphoreType.DMA,
            pltpu.SemaphoreType.DMA,
            pltpu.SemaphoreType.DMA,
        ],
    )(ids_flat, table)


def kernel(ids, emb_weight):
    n_e, n_s = ids.shape
    ids_t = jnp.transpose(ids).reshape(-1).astype(jnp.int32)
    out = _lookup_normalize(ids_t, emb_weight)
    return out.reshape(n_s, n_e, DIM).transpose(1, 0, 2)

# --- scband reference (transcript-rebuilt; emitter-appended) ---
"""Pipeline reference for scband-entity-embeddings-65687229825556 (READ-ONLY COPY).

The authoritative reference and input builder live on the scoring server;
editing this copy changes nothing except your own understanding.
"""

import jax, jax.numpy as jnp
import numpy as np

N_ENTITIES = 100000
DIM = 128


def setup_inputs(seed: int = 0) -> dict:
    key = jax.random.key(seed)
    k_ids, k_emb = jax.random.split(key)
    ids = jax.random.randint(k_ids, (4096, 50), 0, N_ENTITIES, dtype=jnp.int64)
    # xavier_uniform init for embedding table of shape [N_ENTITIES, DIM]
    bound = float(np.sqrt(6.0 / (N_ENTITIES + DIM)))
    emb_weight = jax.random.uniform(k_emb, (N_ENTITIES, DIM), dtype=jnp.float32, minval=-bound, maxval=bound)
    return {"ids": ids, "emb_weight": emb_weight}


def reference(ids, emb_weight):
    # raw = self.emb(ids)
    raw = jnp.take(emb_weight, ids, axis=0)
    # F.normalize(raw, p=2, dim=-1): x / max(||x||_2, eps), eps=1e-12
    norm = jnp.linalg.norm(raw, ord=2, axis=-1, keepdims=True)
    return raw / jnp.maximum(norm, 1e-12)

if __name__ == "__main__":
    import jax
    _d = setup_inputs()
    print(jax.jit(kernel)(*tuple(_d.values())))

</pallas_src>

<mosaic_0001>
#map = affine_map<(d0, d1) -> (0)>
#map1 = affine_map<(d0, d1) -> (0, 0)>
module attributes {stable_mosaic.version = 14 : i64} {
  func.func @_body(%arg0: i32, %arg1: i32, %arg2: memref<204800xi32, #tpu.memory_space<hbm>>, %arg3: memref<100000x128xf32, #tpu.memory_space<hbm>>, %arg4: memref<204800x128xf32, #tpu.memory_space<hbm>>, %arg5: memref<400xi32, #tpu.memory_space<vmem>>, %arg6: memref<400xi32, #tpu.memory_space<vmem>>, %arg7: memref<400x128xf32, #tpu.memory_space<vmem>>, %arg8: memref<400x128xf32, #tpu.memory_space<vmem>>, %arg9: memref<!tpu.dma_semaphore, #tpu.memory_space<semaphore_mem>>, %arg10: memref<!tpu.dma_semaphore, #tpu.memory_space<semaphore_mem>>, %arg11: memref<!tpu.dma_semaphore, #tpu.memory_space<semaphore_mem>>, %arg12: memref<!tpu.dma_semaphore, #tpu.memory_space<semaphore_mem>>) attributes {dimension_semantics = [#tpu.dimension_semantics<core_parallel>, #tpu.dimension_semantics<subcore_parallel>], iteration_bounds = array<i64: 2, 16>, scalar_prefetch = 0 : i64, scratch_operands = 8 : i64, tpu.core_type = #tpu.core_type<sc_vector_subcore>, window_params = [{transform_indices = #map}, {transform_indices = #map1}, {transform_indices = #map1}]} {
    %mul3A = arith.constant 2 : i32
    %mul3A_0 = arith.muli %arg1, %mul3A : i32
    %add3A = arith.addi %mul3A_0, %arg0 : i32
    %mul3A_1 = arith.constant 6400 : i32
    %mul3A_2 = arith.muli %add3A, %mul3A_1 : i32
    "tpu.region"() ({
      %run_scoped3A = tpu.sem_alloc : memref<!tpu.dma_semaphore, #tpu.memory_space<semaphore_mem>>
      %dma_start3A_15 = tpu.memref_slice %arg2[%mul3A_2] : memref<204800xi32, #tpu.memory_space<hbm>> -> memref<400xi32, #tpu.memory_space<hbm>>
      %dma_start3A_16 = tpu.memref_slice %arg2[%mul3A_2] : memref<204800xi32, #tpu.memory_space<hbm>> -> memref<400xi32, #tpu.memory_space<hbm>>
      tpu.enqueue_dma source(%dma_start3A_16 : memref<400xi32, #tpu.memory_space<hbm>>) target(%arg5 : memref<400xi32, #tpu.memory_space<vmem>>) target_semaphore(%run_scoped3A : memref<!tpu.dma_semaphore, #tpu.memory_space<semaphore_mem>>)
      %dma_wait3A_17 = tpu.memref_slice %arg2[%mul3A_2] : memref<204800xi32, #tpu.memory_space<hbm>> -> memref<400xi32, #tpu.memory_space<hbm>>
      %dma_wait3A_18 = tpu.memref_slice %arg2[%mul3A_2] : memref<204800xi32, #tpu.memory_space<hbm>> -> memref<400xi32, #tpu.memory_space<hbm>>
      tpu.wait_dma2 semaphore(%run_scoped3A : memref<!tpu.dma_semaphore, #tpu.memory_space<semaphore_mem>>) src(%dma_wait3A_18 : memref<400xi32, #tpu.memory_space<hbm>>) dst(%arg5 : memref<400xi32, #tpu.memory_space<vmem>>)
      tpu.yield
    }) : () -> ()
    %dma_start3A = arith.constant 0 : i32
    %dma_start3A_3 = arith.constant 0 : i32
    %dma_start3A_4 = tpu.memref_slice %arg3[%dma_start3A, %dma_start3A_3] : memref<100000x128xf32, #tpu.memory_space<hbm>> -> memref<100000x128xf32, #tpu.memory_space<hbm>>
    tpu.enqueue_indirect_dma source(%dma_start3A_4 : memref<100000x128xf32, #tpu.memory_space<hbm>>) target(%arg7 : memref<400x128xf32, #tpu.memory_space<vmem>>) offsets(%arg5 : memref<400xi32, #tpu.memory_space<vmem>>) semaphore(%arg9 : memref<!tpu.dma_semaphore, #tpu.memory_space<semaphore_mem>>)
    %scan3A = arith.constant 0 : i32
    %scan3A_5 = arith.constant 0 : i32
    %scan3A_6 = arith.constant 8 : i32
    %scan3A_7 = arith.addi %scan3A_5, %scan3A_6 : i32
    %scan3A_8 = arith.constant 1 : i32
    scf.for %scan3A_15 = %scan3A_5 to %scan3A_7 step %scan3A_8  : i32 {
      %mul3A_16 = arith.constant 2 : i32
      %mul3A_17 = arith.muli %scan3A_15, %mul3A_16 : i32
      %add3A_18 = arith.constant 0 : i32
      %add3A_19 = arith.addi %mul3A_17, %add3A_18 : i32
      %mul3A_20 = arith.constant 400 : i32
      %mul3A_21 = arith.muli %add3A_19, %mul3A_20 : i32
      %add3A_22 = arith.addi %mul3A_2, %mul3A_21 : i32
      %gt3A = arith.constant 0 : i32
      %gt3A_23 = arith.cmpi sgt, %add3A_19, %gt3A : i32
      %convert_element_type3A = arith.extui %gt3A_23 : i1 to i32
      %cond3A = arith.constant 0 : i32
      %cond3A_24 = arith.cmpi ne, %convert_element_type3A, %cond3A : i32
      scf.if %cond3A_24 {
        %sub3A = arith.constant 400 : i32
        %sub3A_72 = arith.subi %add3A_22, %sub3A : i32
        %dma_wait3A_73 = arith.constant 0 : i32
        %dma_wait3A_74 = tpu.memref_slice %arg4[%sub3A_72, %dma_wait3A_73] : memref<204800x128xf32, #tpu.memory_space<hbm>> -> memref<400x128xf32, #tpu.memory_space<hbm>>
        %dma_wait3A_75 = arith.constant 0 : i32
        %dma_wait3A_76 = tpu.memref_slice %arg4[%sub3A_72, %dma_wait3A_75] : memref<204800x128xf32, #tpu.memory_space<hbm>> -> memref<400x128xf32, #tpu.memory_space<hbm>>
        tpu.wait_dma2 semaphore(%arg12 : memref<!tpu.dma_semaphore, #tpu.memory_space<semaphore_mem>>) src(%arg8 : memref<400x128xf32, #tpu.memory_space<vmem>>) dst(%dma_wait3A_76 : memref<400x128xf32, #tpu.memory_space<hbm>>)
      } else {
      }
      %add3A_25 = arith.constant 1 : i32
      %add3A_26 = arith.addi %add3A_19, %add3A_25 : i32
      %lt3A = arith.constant 16 : i32
      %lt3A_27 = arith.cmpi slt, %add3A_26, %lt3A : i32
      %convert_element_type3A_28 = arith.extui %lt3A_27 : i1 to i32
      %cond3A_29 = arith.constant 0 : i32
      %cond3A_30 = arith.cmpi ne, %convert_element_type3A_28, %cond3A_29 : i32
      scf.if %cond3A_30 {
        %add3A_72 = arith.constant 400 : i32
        %add3A_73 = arith.addi %add3A_22, %add3A_72 : i32
        "tpu.region"() ({
          %run_scoped3A = tpu.sem_alloc : memref<!tpu.dma_semaphore, #tpu.memory_space<semaphore_mem>>
          %dma_start3A_77 = tpu.memref_slice %arg2[%add3A_73] : memref<204800xi32, #tpu.memory_space<hbm>> -> memref<400xi32, #tpu.memory_space<hbm>>
          %dma_start3A_78 = tpu.memref_slice %arg2[%add3A_73] : memref<204800xi32, #tpu.memory_space<hbm>> -> memref<400xi32, #tpu.memory_space<hbm>>
          tpu.enqueue_dma source(%dma_start3A_78 : memref<400xi32, #tpu.memory_space<hbm>>) target(%arg6 : memref<400xi32, #tpu.memory_space<vmem>>) target_semaphore(%run_scoped3A : memref<!tpu.dma_semaphore, #tpu.memory_space<semaphore_mem>>)
          %dma_wait3A_79 = tpu.memref_slice %arg2[%add3A_73] : memref<204800xi32, #tpu.memory_space<hbm>> -> memref<400xi32, #tpu.memory_space<hbm>>
          %dma_wait3A_80 = tpu.memref_slice %arg2[%add3A_73] : memref<204800xi32, #tpu.memory_space<hbm>> -> memref<400xi32, #tpu.memory_space<hbm>>
          tpu.wait_dma2 semaphore(%run_scoped3A : memref<!tpu.dma_semaphore, #tpu.memory_space<semaphore_mem>>) src(%dma_wait3A_80 : memref<400xi32, #tpu.memory_space<hbm>>) dst(%arg6 : memref<400xi32, #tpu.memory_space<vmem>>)
          tpu.yield
        }) : () -> ()
        %dma_start3A_74 = arith.constant 0 : i32
        %dma_start3A_75 = arith.constant 0 : i32
        %dma_start3A_76 = tpu.memref_slice %arg3[%dma_start3A_74, %dma_start3A_75] : memref<100000x128xf32, #tpu.memory_space<hbm>> -> memref<100000x128xf32, #tpu.memory_space<hbm>>
        tpu.enqueue_indirect_dma source(%dma_start3A_76 : memref<100000x128xf32, #tpu.memory_space<hbm>>) target(%arg8 : memref<400x128xf32, #tpu.memory_space<vmem>>) offsets(%arg6 : memref<400xi32, #tpu.memory_space<vmem>>) semaphore(%arg10 : memref<!tpu.dma_semaphore, #tpu.memory_space<semaphore_mem>>)
      } else {
      }
      %dma_wait3A_31 = arith.constant 0 : i32
      %dma_wait3A_32 = arith.constant 0 : i32
      %dma_wait3A_33 = tpu.memref_slice %arg3[%dma_wait3A_31, %dma_wait3A_32] : memref<100000x128xf32, #tpu.memory_space<hbm>> -> memref<100000x128xf32, #tpu.memory_space<hbm>>
      tpu.wait_indirect_dma semaphore(%arg9 : memref<!tpu.dma_semaphore, #tpu.memory_space<semaphore_mem>>) src(%dma_wait3A_33 : memref<100000x128xf32, #tpu.memory_space<hbm>>) dst(%arg7 : memref<400x128xf32, #tpu.memory_space<vmem>>)
      %broadcast_in_dim3A = arith.constant 15 : i32
      %broadcast_in_dim3A_34 = vector.broadcast %broadcast_in_dim3A : i32 to vector<16xi32>
      %parallel_loop3A = arith.constant 0 : i32
      %parallel_loop3A_35 = arith.constant 400 : i32
      %parallel_loop3A_36 = arith.constant 1 : i32
      scf.for %parallel_loop3A_72 = %parallel_loop3A to %parallel_loop3A_35 step %parallel_loop3A_36  : i32 {
        %parallel_loop3A_73 = arith.index_cast %parallel_loop3A_72 : i32 to index
        %parallel_loop3A_74 = arith.constant 0 : index
        %parallel_loop3A_75 = tpu.vector_load %arg7[%parallel_loop3A_73, %parallel_loop3A_74] {strides = array<i32>} : memref<400x128xf32, #tpu.memory_space<vmem>>, vector<16xf32>,
        %parallel_loop3A_76 = arith.index_cast %parallel_loop3A_72 : i32 to index
        %parallel_loop3A_77 = arith.constant 16 : index
        %parallel_loop3A_78 = tpu.vector_load %arg7[%parallel_loop3A_76, %parallel_loop3A_77] {strides = array<i32>} : memref<400x128xf32, #tpu.memory_space<vmem>>, vector<16xf32>,
        %parallel_loop3A_79 = arith.index_cast %parallel_loop3A_72 : i32 to index
        %parallel_loop3A_80 = arith.constant 32 : index
        %parallel_loop3A_81 = tpu.vector_load %arg7[%parallel_loop3A_79, %parallel_loop3A_80] {strides = array<i32>} : memref<400x128xf32, #tpu.memory_space<vmem>>, vector<16xf32>,
        %parallel_loop3A_82 = arith.index_cast %parallel_loop3A_72 : i32 to index
        %parallel_loop3A_83 = arith.constant 48 : index
        %parallel_loop3A_84 = tpu.vector_load %arg7[%parallel_loop3A_82, %parallel_loop3A_83] {strides = array<i32>} : memref<400x128xf32, #tpu.memory_space<vmem>>, vector<16xf32>,
        %parallel_loop3A_85 = arith.index_cast %parallel_loop3A_72 : i32 to index
        %parallel_loop3A_86 = arith.constant 64 : index
        %parallel_loop3A_87 = tpu.vector_load %arg7[%parallel_loop3A_85, %parallel_loop3A_86] {strides = array<i32>} : memref<400x128xf32, #tpu.memory_space<vmem>>, vector<16xf32>,
        %parallel_loop3A_88 = arith.index_cast %parallel_loop3A_72 : i32 to index
        %parallel_loop3A_89 = arith.constant 80 : index
        %parallel_loop3A_90 = tpu.vector_load %arg7[%parallel_loop3A_88, %parallel_loop3A_89] {strides = array<i32>} : memref<400x128xf32, #tpu.memory_space<vmem>>, vector<16xf32>,
        %parallel_loop3A_91 = arith.index_cast %parallel_loop3A_72 : i32 to index
        %parallel_loop3A_92 = arith.constant 96 : index
        %parallel_loop3A_93 = tpu.vector_load %arg7[%parallel_loop3A_91, %parallel_loop3A_92] {strides = array<i32>} : memref<400x128xf32, #tpu.memory_space<vmem>>, vector<16xf32>,
        %parallel_loop3A_94 = arith.index_cast %parallel_loop3A_72 : i32 to index
        %parallel_loop3A_95 = arith.constant 112 : index
        %parallel_loop3A_96 = tpu.vector_load %arg7[%parallel_loop3A_94, %parallel_loop3A_95] {strides = array<i32>} : memref<400x128xf32, #tpu.memory_space<vmem>>, vector<16xf32>,
        %parallel_loop3A_97 = arith.mulf %parallel_loop3A_75, %parallel_loop3A_75 : vector<16xf32>
        %parallel_loop3A_98 = arith.mulf %parallel_loop3A_78, %parallel_loop3A_78 : vector<16xf32>
        %parallel_loop3A_99 = arith.addf %parallel_loop3A_97, %parallel_loop3A_98 : vector<16xf32>
        %parallel_loop3A_100 = arith.mulf %parallel_loop3A_81, %parallel_loop3A_81 : vector<16xf32>
        %parallel_loop3A_101 = arith.addf %parallel_loop3A_99, %parallel_loop3A_100 : vector<16xf32>
        %parallel_loop3A_102 = arith.mulf %parallel_loop3A_84, %parallel_loop3A_84 : vector<16xf32>
        %parallel_loop3A_103 = arith.addf %parallel_loop3A_101, %parallel_loop3A_102 : vector<16xf32>
        %parallel_loop3A_104 = arith.mulf %parallel_loop3A_87, %parallel_loop3A_87 : vector<16xf32>
        %parallel_loop3A_105 = arith.addf %parallel_loop3A_103, %parallel_loop3A_104 : vector<16xf32>
        %parallel_loop3A_106 = arith.mulf %parallel_loop3A_90, %parallel_loop3A_90 : vector<16xf32>
        %parallel_loop3A_107 = arith.addf %parallel_loop3A_105, %parallel_loop3A_106 : vector<16xf32>
        %parallel_loop3A_108 = arith.mulf %parallel_loop3A_93, %parallel_loop3A_93 : vector<16xf32>
        %parallel_loop3A_109 = arith.addf %parallel_loop3A_107, %parallel_loop3A_108 : vector<16xf32>
        %parallel_loop3A_110 = arith.mulf %parallel_loop3A_96, %parallel_loop3A_96 : vector<16xf32>
        %parallel_loop3A_111 = arith.addf %parallel_loop3A_109, %parallel_loop3A_110 : vector<16xf32>
        %parallel_loop3A_112 = arith.constant true
        %parallel_loop3A_113 = vector.broadcast %parallel_loop3A_112 : i1 to vector<16xi1>
        %parallel_loop3A_114 = tpu.scan <sum>, %parallel_loop3A_111 masked %parallel_loop3A_113 : vector<16xf32>, vector<16xi1> -> vector<16xf32>
        %parallel_loop3A_115 = vector.shape_cast %broadcast_in_dim3A_34 : vector<16xi32> to vector<16x1xi32>
        %parallel_loop3A_116 = vector.shape_cast %parallel_loop3A_115 : vector<16x1xi32> to vector<16xi32>
        %parallel_loop3A_117 = tpu.dynamic_gather %parallel_loop3A_114[%parallel_loop3A_116] in [0] : vector<16xf32>, vector<16xi32> -> vector<16xf32>
        %parallel_loop3A_118 = arith.constant 1.000000e-24 : f32
        %parallel_loop3A_119 = vector.broadcast %parallel_loop3A_118 : f32 to vector<16xf32>
        %parallel_loop3A_120 = arith.maximumf %parallel_loop3A_117, %parallel_loop3A_119 : vector<16xf32>
        %parallel_loop3A_121 = vector.bitcast %parallel_loop3A_120 : vector<16xf32> to vector<16xi32>
        %parallel_loop3A_122 = arith.constant 1 : i32
        %parallel_loop3A_123 = vector.broadcast %parallel_loop3A_122 : i32 to vector<16xi32>
        %parallel_loop3A_124 = arith.shrsi %parallel_loop3A_121, %parallel_loop3A_123 : vector<16xi32>
        %parallel_loop3A_125 = arith.constant 1597463007 : i32
        %parallel_loop3A_126 = vector.broadcast %parallel_loop3A_125 : i32 to vector<16xi32>
        %parallel_loop3A_127 = arith.subi %parallel_loop3A_126, %parallel_loop3A_124 : vector<16xi32>
        %parallel_loop3A_128 = vector.bitcast %parallel_loop3A_127 : vector<16xi32> to vector<16xf32>
        %parallel_loop3A_129 = arith.constant 5.000000e-01 : f32
        %parallel_loop3A_130 = vector.broadcast %parallel_loop3A_129 : f32 to vector<16xf32>
        %parallel_loop3A_131 = arith.mulf %parallel_loop3A_120, %parallel_loop3A_130 : vector<16xf32>
        %parallel_loop3A_132 = arith.mulf %parallel_loop3A_131, %parallel_loop3A_128 : vector<16xf32>
        %parallel_loop3A_133 = arith.mulf %parallel_loop3A_132, %parallel_loop3A_128 : vector<16xf32>
        %parallel_loop3A_134 = arith.constant 1.500000e+00 : f32
        %parallel_loop3A_135 = vector.broadcast %parallel_loop3A_134 : f32 to vector<16xf32>
        %parallel_loop3A_136 = arith.subf %parallel_loop3A_135, %parallel_loop3A_133 : vector<16xf32>
        %parallel_loop3A_137 = arith.mulf %parallel_loop3A_128, %parallel_loop3A_136 : vector<16xf32>
        %parallel_loop3A_138 = arith.constant 5.000000e-01 : f32
        %parallel_loop3A_139 = vector.broadcast %parallel_loop3A_138 : f32 to vector<16xf32>
        %parallel_loop3A_140 = arith.mulf %parallel_loop3A_120, %parallel_loop3A_139 : vector<16xf32>
        %parallel_loop3A_141 = arith.mulf %parallel_loop3A_140, %parallel_loop3A_137 : vector<16xf32>
        %parallel_loop3A_142 = arith.mulf %parallel_loop3A_141, %parallel_loop3A_137 : vector<16xf32>
        %parallel_loop3A_143 = arith.constant 1.500000e+00 : f32
        %parallel_loop3A_144 = vector.broadcast %parallel_loop3A_143 : f32 to vector<16xf32>
        %parallel_loop3A_145 = arith.subf %parallel_loop3A_144, %parallel_loop3A_142 : vector<16xf32>
        %parallel_loop3A_146 = arith.mulf %parallel_loop3A_137, %parallel_loop3A_145 : vector<16xf32>
        %parallel_loop3A_147 = arith.mulf %parallel_loop3A_75, %parallel_loop3A_146 : vector<16xf32>
        %parallel_loop3A_148 = arith.index_cast %parallel_loop3A_72 : i32 to index
        %parallel_loop3A_149 = arith.constant 0 : index
        %parallel_loop3A_150 = tpu.vector_load %arg7[%parallel_loop3A_148, %parallel_loop3A_149] {strides = array<i32>} : memref<400x128xf32, #tpu.memory_space<vmem>>, vector<16xf32>,
        tpu.vector_store %arg7[%parallel_loop3A_148, %parallel_loop3A_149], %parallel_loop3A_147 {strides = array<i32>} : memref<400x128xf32, #tpu.memory_space<vmem>>, vector<16xf32>,
        %parallel_loop3A_151 = arith.mulf %parallel_loop3A_78, %parallel_loop3A_146 : vector<16xf32>
        %parallel_loop3A_152 = arith.index_cast %parallel_loop3A_72 : i32 to index
        %parallel_loop3A_153 = arith.constant 16 : index
        %parallel_loop3A_154 = tpu.vector_load %arg7[%parallel_loop3A_152, %parallel_loop3A_153] {strides = array<i32>} : memref<400x128xf32, #tpu.memory_space<vmem>>, vector<16xf32>,
        tpu.vector_store %arg7[%parallel_loop3A_152, %parallel_loop3A_153], %parallel_loop3A_151 {strides = array<i32>} : memref<400x128xf32, #tpu.memory_space<vmem>>, vector<16xf32>,
        %parallel_loop3A_155 = arith.mulf %parallel_loop3A_81, %parallel_loop3A_146 : vector<16xf32>
        %parallel_loop3A_156 = arith.index_cast %parallel_loop3A_72 : i32 to index
        %parallel_loop3A_157 = arith.constant 32 : index
        %parallel_loop3A_158 = tpu.vector_load %arg7[%parallel_loop3A_156, %parallel_loop3A_157] {strides = array<i32>} : memref<400x128xf32, #tpu.memory_space<vmem>>, vector<16xf32>,
        tpu.vector_store %arg7[%parallel_loop3A_156, %parallel_loop3A_157], %parallel_loop3A_155 {strides = array<i32>} : memref<400x128xf32, #tpu.memory_space<vmem>>, vector<16xf32>,
        %parallel_loop3A_159 = arith.mulf %parallel_loop3A_84, %parallel_loop3A_146 : vector<16xf32>
        %parallel_loop3A_160 = arith.index_cast %parallel_loop3A_72 : i32 to index
        %parallel_loop3A_161 = arith.constant 48 : index
        %parallel_loop3A_162 = tpu.vector_load %arg7[%parallel_loop3A_160, %parallel_loop3A_161] {strides = array<i32>} : memref<400x128xf32, #tpu.memory_space<vmem>>, vector<16xf32>,
        tpu.vector_store %arg7[%parallel_loop3A_160, %parallel_loop3A_161], %parallel_loop3A_159 {strides = array<i32>} : memref<400x128xf32, #tpu.memory_space<vmem>>, vector<16xf32>,
        %parallel_loop3A_163 = arith.mulf %parallel_loop3A_87, %parallel_loop3A_146 : vector<16xf32>
        %parallel_loop3A_164 = arith.index_cast %parallel_loop3A_72 : i32 to index
        %parallel_loop3A_165 = arith.constant 64 : index
        %parallel_loop3A_166 = tpu.vector_load %arg7[%parallel_loop3A_164, %parallel_loop3A_165] {strides = array<i32>} : memref<400x128xf32, #tpu.memory_space<vmem>>, vector<16xf32>,
        tpu.vector_store %arg7[%parallel_loop3A_164, %parallel_loop3A_165], %parallel_loop3A_163 {strides = array<i32>} : memref<400x128xf32, #tpu.memory_space<vmem>>, vector<16xf32>,
        %parallel_loop3A_167 = arith.mulf %parallel_loop3A_90, %parallel_loop3A_146 : vector<16xf32>
        %parallel_loop3A_168 = arith.index_cast %parallel_loop3A_72 : i32 to index
        %parallel_loop3A_169 = arith.constant 80 : index
        %parallel_loop3A_170 = tpu.vector_load %arg7[%parallel_loop3A_168, %parallel_loop3A_169] {strides = array<i32>} : memref<400x128xf32, #tpu.memory_space<vmem>>, vector<16xf32>,
        tpu.vector_store %arg7[%parallel_loop3A_168, %parallel_loop3A_169], %parallel_loop3A_167 {strides = array<i32>} : memref<400x128xf32, #tpu.memory_space<vmem>>, vector<16xf32>,
        %parallel_loop3A_171 = arith.mulf %parallel_loop3A_93, %parallel_loop3A_146 : vector<16xf32>
        %parallel_loop3A_172 = arith.index_cast %parallel_loop3A_72 : i32 to index
        %parallel_loop3A_173 = arith.constant 96 : index
        %parallel_loop3A_174 = tpu.vector_load %arg7[%parallel_loop3A_172, %parallel_loop3A_173] {strides = array<i32>} : memref<400x128xf32, #tpu.memory_space<vmem>>, vector<16xf32>,
        tpu.vector_store %arg7[%parallel_loop3A_172, %parallel_loop3A_173], %parallel_loop3A_171 {strides = array<i32>} : memref<400x128xf32, #tpu.memory_space<vmem>>, vector<16xf32>,
        %parallel_loop3A_175 = arith.mulf %parallel_loop3A_96, %parallel_loop3A_146 : vector<16xf32>
        %parallel_loop3A_176 = arith.index_cast %parallel_loop3A_72 : i32 to index
        %parallel_loop3A_177 = arith.constant 112 : index
        %parallel_loop3A_178 = tpu.vector_load %arg7[%parallel_loop3A_176, %parallel_loop3A_177] {strides = array<i32>} : memref<400x128xf32, #tpu.memory_space<vmem>>, vector<16xf32>,
        tpu.vector_store %arg7[%parallel_loop3A_176, %parallel_loop3A_177], %parallel_loop3A_175 {strides = array<i32>} : memref<400x128xf32, #tpu.memory_space<vmem>>, vector<16xf32>,
      } {sc.loop_unroll_factor = 2 : i64, sc.parallel_access}
      %dma_start3A_37 = arith.constant 0 : i32
      %dma_start3A_38 = tpu.memref_slice %arg4[%add3A_22, %dma_start3A_37] : memref<204800x128xf32, #tpu.memory_space<hbm>> -> memref<400x128xf32, #tpu.memory_space<hbm>>
      %dma_start3A_39 = arith.constant 0 : i32
      %dma_start3A_40 = tpu.memref_slice %arg4[%add3A_22, %dma_start3A_39] : memref<204800x128xf32, #tpu.memory_space<hbm>> -> memref<400x128xf32, #tpu.memory_space<hbm>>
      tpu.enqueue_dma source(%arg7 : memref<400x128xf32, #tpu.memory_space<vmem>>) target(%dma_start3A_40 : memref<400x128xf32, #tpu.memory_space<hbm>>) target_semaphore(%arg11 : memref<!tpu.dma_semaphore, #tpu.memory_space<semaphore_mem>>)
      %mul3A_41 = arith.constant 2 : i32
      %mul3A_42 = arith.muli %scan3A_15, %mul3A_41 : i32
      %add3A_43 = arith.constant 1 : i32
      %add3A_44 = arith.addi %mul3A_42, %add3A_43 : i32
      %mul3A_45 = arith.constant 400 : i32
      %mul3A_46 = arith.muli %add3A_44, %mul3A_45 : i32
      %add3A_47 = arith.addi %mul3A_2, %mul3A_46 : i32
      %gt3A_48 = arith.constant 0 : i32
      %gt3A_49 = arith.cmpi sgt, %add3A_44, %gt3A_48 : i32
      %convert_element_type3A_50 = arith.extui %gt3A_49 : i1 to i32
      %cond3A_51 = arith.constant 0 : i32
      %cond3A_52 = arith.cmpi ne, %convert_element_type3A_50, %cond3A_51 : i32
      scf.if %cond3A_52 {
        %sub3A = arith.constant 400 : i32
        %sub3A_72 = arith.subi %add3A_47, %sub3A : i32
        %dma_wait3A_73 = arith.constant 0 : i32
        %dma_wait3A_74 = tpu.memref_slice %arg4[%sub3A_72, %dma_wait3A_73] : memref<204800x128xf32, #tpu.memory_space<hbm>> -> memref<400x128xf32, #tpu.memory_space<hbm>>
        %dma_wait3A_75 = arith.constant 0 : i32
        %dma_wait3A_76 = tpu.memref_slice %arg4[%sub3A_72, %dma_wait3A_75] : memref<204800x128xf32, #tpu.memory_space<hbm>> -> memref<400x128xf32, #tpu.memory_space<hbm>>
        tpu.wait_dma2 semaphore(%arg11 : memref<!tpu.dma_semaphore, #tpu.memory_space<semaphore_mem>>) src(%arg7 : memref<400x128xf32, #tpu.memory_space<vmem>>) dst(%dma_wait3A_76 : memref<400x128xf32, #tpu.memory_space<hbm>>)
      } else {
      }
      %add3A_53 = arith.constant 1 : i32
      %add3A_54 = arith.addi %add3A_44, %add3A_53 : i32
      %lt3A_55 = arith.constant 16 : i32
      %lt3A_56 = arith.cmpi slt, %add3A_54, %lt3A_55 : i32
      %convert_element_type3A_57 = arith.extui %lt3A_56 : i1 to i32
      %cond3A_58 = arith.constant 0 : i32
      %cond3A_59 = arith.cmpi ne, %convert_element_type3A_57, %cond3A_58 : i32
      scf.if %cond3A_59 {
        %add3A_72 = arith.constant 400 : i32
        %add3A_73 = arith.addi %add3A_47, %add3A_72 : i32
        "tpu.region"() ({
          %run_scoped3A = tpu.sem_alloc : memref<!tpu.dma_semaphore, #tpu.memory_space<semaphore_mem>>
          %dma_start3A_77 = tpu.memref_slice %arg2[%add3A_73] : memref<204800xi32, #tpu.memory_space<hbm>> -> memref<400xi32, #tpu.memory_space<hbm>>
          %dma_start3A_78 = tpu.memref_slice %arg2[%add3A_73] : memref<204800xi32, #tpu.memory_space<hbm>> -> memref<400xi32, #tpu.memory_space<hbm>>
          tpu.enqueue_dma source(%dma_start3A_78 : memref<400xi32, #tpu.memory_space<hbm>>) target(%arg5 : memref<400xi32, #tpu.memory_space<vmem>>) target_semaphore(%run_scoped3A : memref<!tpu.dma_semaphore, #tpu.memory_space<semaphore_mem>>)
          %dma_wait3A_79 = tpu.memref_slice %arg2[%add3A_73] : memref<204800xi32, #tpu.memory_space<hbm>> -> memref<400xi32, #tpu.memory_space<hbm>>
          %dma_wait3A_80 = tpu.memref_slice %arg2[%add3A_73] : memref<204800xi32, #tpu.memory_space<hbm>> -> memref<400xi32, #tpu.memory_space<hbm>>
          tpu.wait_dma2 semaphore(%run_scoped3A : memref<!tpu.dma_semaphore, #tpu.memory_space<semaphore_mem>>) src(%dma_wait3A_80 : memref<400xi32, #tpu.memory_space<hbm>>) dst(%arg5 : memref<400xi32, #tpu.memory_space<vmem>>)
          tpu.yield
        }) : () -> ()
        %dma_start3A_74 = arith.constant 0 : i32
        %dma_start3A_75 = arith.constant 0 : i32
        %dma_start3A_76 = tpu.memref_slice %arg3[%dma_start3A_74, %dma_start3A_75] : memref<100000x128xf32, #tpu.memory_space<hbm>> -> memref<100000x128xf32, #tpu.memory_space<hbm>>
        tpu.enqueue_indirect_dma source(%dma_start3A_76 : memref<100000x128xf32, #tpu.memory_space<hbm>>) target(%arg7 : memref<400x128xf32, #tpu.memory_space<vmem>>) offsets(%arg5 : memref<400xi32, #tpu.memory_space<vmem>>) semaphore(%arg9 : memref<!tpu.dma_semaphore, #tpu.memory_space<semaphore_mem>>)
      } else {
      }
      %dma_wait3A_60 = arith.constant 0 : i32
      %dma_wait3A_61 = arith.constant 0 : i32
      %dma_wait3A_62 = tpu.memref_slice %arg3[%dma_wait3A_60, %dma_wait3A_61] : memref<100000x128xf32, #tpu.memory_space<hbm>> -> memref<100000x128xf32, #tpu.memory_space<hbm>>
      tpu.wait_indirect_dma semaphore(%arg10 : memref<!tpu.dma_semaphore, #tpu.memory_space<semaphore_mem>>) src(%dma_wait3A_62 : memref<100000x128xf32, #tpu.memory_space<hbm>>) dst(%arg8 : memref<400x128xf32, #tpu.memory_space<vmem>>)
      %broadcast_in_dim3A_63 = arith.constant 15 : i32
      %broadcast_in_dim3A_64 = vector.broadcast %broadcast_in_dim3A_63 : i32 to vector<16xi32>
      %parallel_loop3A_65 = arith.constant 0 : i32
      %parallel_loop3A_66 = arith.constant 400 : i32
      %parallel_loop3A_67 = arith.constant 1 : i32
      scf.for %parallel_loop3A_72 = %parallel_loop3A_65 to %parallel_loop3A_66 step %parallel_loop3A_67  : i32 {
        %parallel_loop3A_73 = arith.index_cast %parallel_loop3A_72 : i32 to index
        %parallel_loop3A_74 = arith.constant 0 : index
        %parallel_loop3A_75 = tpu.vector_load %arg8[%parallel_loop3A_73, %parallel_loop3A_74] {strides = array<i32>} : memref<400x128xf32, #tpu.memory_space<vmem>>, vector<16xf32>,
        %parallel_loop3A_76 = arith.index_cast %parallel_loop3A_72 : i32 to index
        %parallel_loop3A_77 = arith.constant 16 : index
        %parallel_loop3A_78 = tpu.vector_load %arg8[%parallel_loop3A_76, %parallel_loop3A_77] {strides = array<i32>} : memref<400x128xf32, #tpu.memory_space<vmem>>, vector<16xf32>,
        %parallel_loop3A_79 = arith.index_cast %parallel_loop3A_72 : i32 to index
        %parallel_loop3A_80 = arith.constant 32 : index
        %parallel_loop3A_81 = tpu.vector_load %arg8[%parallel_loop3A_79, %parallel_loop3A_80] {strides = array<i32>} : memref<400x128xf32, #tpu.memory_space<vmem>>, vector<16xf32>,
        %parallel_loop3A_82 = arith.index_cast %parallel_loop3A_72 : i32 to index
        %parallel_loop3A_83 = arith.constant 48 : index
        %parallel_loop3A_84 = tpu.vector_load %arg8[%parallel_loop3A_82, %parallel_loop3A_83] {strides = array<i32>} : memref<400x128xf32, #tpu.memory_space<vmem>>, vector<16xf32>,
        %parallel_loop3A_85 = arith.index_cast %parallel_loop3A_72 : i32 to index
        %parallel_loop3A_86 = arith.constant 64 : index
        %parallel_loop3A_87 = tpu.vector_load %arg8[%parallel_loop3A_85, %parallel_loop3A_86] {strides = array<i32>} : memref<400x128xf32, #tpu.memory_space<vmem>>, vector<16xf32>,
        %parallel_loop3A_88 = arith.index_cast %parallel_loop3A_72 : i32 to index
        %parallel_loop3A_89 = arith.constant 80 : index
        %parallel_loop3A_90 = tpu.vector_load %arg8[%parallel_loop3A_88, %parallel_loop3A_89] {strides = array<i32>} : memref<400x128xf32, #tpu.memory_space<vmem>>, vector<16xf32>,
        %parallel_loop3A_91 = arith.index_cast %parallel_loop3A_72 : i32 to index
        %parallel_loop3A_92 = arith.constant 96 : index
        %parallel_loop3A_93 = tpu.vector_load %arg8[%parallel_loop3A_91, %parallel_loop3A_92] {strides = array<i32>} : memref<400x128xf32, #tpu.memory_space<vmem>>, vector<16xf32>,
        %parallel_loop3A_94 = arith.index_cast %parallel_loop3A_72 : i32 to index
        %parallel_loop3A_95 = arith.constant 112 : index
        %parallel_loop3A_96 = tpu.vector_load %arg8[%parallel_loop3A_94, %parallel_loop3A_95] {strides = array<i32>} : memref<400x128xf32, #tpu.memory_space<vmem>>, vector<16xf32>,
        %parallel_loop3A_97 = arith.mulf %parallel_loop3A_75, %parallel_loop3A_75 : vector<16xf32>
        %parallel_loop3A_98 = arith.mulf %parallel_loop3A_78, %parallel_loop3A_78 : vector<16xf32>
        %parallel_loop3A_99 = arith.addf %parallel_loop3A_97, %parallel_loop3A_98 : vector<16xf32>
        %parallel_loop3A_100 = arith.mulf %parallel_loop3A_81, %parallel_loop3A_81 : vector<16xf32>
        %parallel_loop3A_101 = arith.addf %parallel_loop3A_99, %parallel_loop3A_100 : vector<16xf32>
        %parallel_loop3A_102 = arith.mulf %parallel_loop3A_84, %parallel_loop3A_84 : vector<16xf32>
        %parallel_loop3A_103 = arith.addf %parallel_loop3A_101, %parallel_loop3A_102 : vector<16xf32>
        %parallel_loop3A_104 = arith.mulf %parallel_loop3A_87, %parallel_loop3A_87 : vector<16xf32>
        %parallel_loop3A_105 = arith.addf %parallel_loop3A_103, %parallel_loop3A_104 : vector<16xf32>
        %parallel_loop3A_106 = arith.mulf %parallel_loop3A_90, %parallel_loop3A_90 : vector<16xf32>
        %parallel_loop3A_107 = arith.addf %parallel_loop3A_105, %parallel_loop3A_106 : vector<16xf32>
        %parallel_loop3A_108 = arith.mulf %parallel_loop3A_93, %parallel_loop3A_93 : vector<16xf32>
        %parallel_loop3A_109 = arith.addf %parallel_loop3A_107, %parallel_loop3A_108 : vector<16xf32>
        %parallel_loop3A_110 = arith.mulf %parallel_loop3A_96, %parallel_loop3A_96 : vector<16xf32>
        %parallel_loop3A_111 = arith.addf %parallel_loop3A_109, %parallel_loop3A_110 : vector<16xf32>
        %parallel_loop3A_112 = arith.constant true
        %parallel_loop3A_113 = vector.broadcast %parallel_loop3A_112 : i1 to vector<16xi1>
        %parallel_loop3A_114 = tpu.scan <sum>, %parallel_loop3A_111 masked %parallel_loop3A_113 : vector<16xf32>, vector<16xi1> -> vector<16xf32>
        %parallel_loop3A_115 = vector.shape_cast %broadcast_in_dim3A_64 : vector<16xi32> to vector<16x1xi32>
        %parallel_loop3A_116 = vector.shape_cast %parallel_loop3A_115 : vector<16x1xi32> to vector<16xi32>
        %parallel_loop3A_117 = tpu.dynamic_gather %parallel_loop3A_114[%parallel_loop3A_116] in [0] : vector<16xf32>, vector<16xi32> -> vector<16xf32>
        %parallel_loop3A_118 = arith.constant 1.000000e-24 : f32
        %parallel_loop3A_119 = vector.broadcast %parallel_loop3A_118 : f32 to vector<16xf32>
        %parallel_loop3A_120 = arith.maximumf %parallel_loop3A_117, %parallel_loop3A_119 : vector<16xf32>
        %parallel_loop3A_121 = vector.bitcast %parallel_loop3A_120 : vector<16xf32> to vector<16xi32>
        %parallel_loop3A_122 = arith.constant 1 : i32
        %parallel_loop3A_123 = vector.broadcast %parallel_loop3A_122 : i32 to vector<16xi32>
        %parallel_loop3A_124 = arith.shrsi %parallel_loop3A_121, %parallel_loop3A_123 : vector<16xi32>
        %parallel_loop3A_125 = arith.constant 1597463007 : i32
        %parallel_loop3A_126 = vector.broadcast %parallel_loop3A_125 : i32 to vector<16xi32>
        %parallel_loop3A_127 = arith.subi %parallel_loop3A_126, %parallel_loop3A_124 : vector<16xi32>
        %parallel_loop3A_128 = vector.bitcast %parallel_loop3A_127 : vector<16xi32> to vector<16xf32>
        %parallel_loop3A_129 = arith.constant 5.000000e-01 : f32
        %parallel_loop3A_130 = vector.broadcast %parallel_loop3A_129 : f32 to vector<16xf32>
        %parallel_loop3A_131 = arith.mulf %parallel_loop3A_120, %parallel_loop3A_130 : vector<16xf32>
        %parallel_loop3A_132 = arith.mulf %parallel_loop3A_131, %parallel_loop3A_128 : vector<16xf32>
        %parallel_loop3A_133 = arith.mulf %parallel_loop3A_132, %parallel_loop3A_128 : vector<16xf32>
        %parallel_loop3A_134 = arith.constant 1.500000e+00 : f32
        %parallel_loop3A_135 = vector.broadcast %parallel_loop3A_134 : f32 to vector<16xf32>
        %parallel_loop3A_136 = arith.subf %parallel_loop3A_135, %parallel_loop3A_133 : vector<16xf32>
        %parallel_loop3A_137 = arith.mulf %parallel_loop3A_128, %parallel_loop3A_136 : vector<16xf32>
        %parallel_loop3A_138 = arith.constant 5.000000e-01 : f32
        %parallel_loop3A_139 = vector.broadcast %parallel_loop3A_138 : f32 to vector<16xf32>
        %parallel_loop3A_140 = arith.mulf %parallel_loop3A_120, %parallel_loop3A_139 : vector<16xf32>
        %parallel_loop3A_141 = arith.mulf %parallel_loop3A_140, %parallel_loop3A_137 : vector<16xf32>
        %parallel_loop3A_142 = arith.mulf %parallel_loop3A_141, %parallel_loop3A_137 : vector<16xf32>
        %parallel_loop3A_143 = arith.constant 1.500000e+00 : f32
        %parallel_loop3A_144 = vector.broadcast %parallel_loop3A_143 : f32 to vector<16xf32>
        %parallel_loop3A_145 = arith.subf %parallel_loop3A_144, %parallel_loop3A_142 : vector<16xf32>
        %parallel_loop3A_146 = arith.mulf %parallel_loop3A_137, %parallel_loop3A_145 : vector<16xf32>
        %parallel_loop3A_147 = arith.mulf %parallel_loop3A_75, %parallel_loop3A_146 : vector<16xf32>
        %parallel_loop3A_148 = arith.index_cast %parallel_loop3A_72 : i32 to index
        %parallel_loop3A_149 = arith.constant 0 : index
        %parallel_loop3A_150 = tpu.vector_load %arg8[%parallel_loop3A_148, %parallel_loop3A_149] {strides = array<i32>} : memref<400x128xf32, #tpu.memory_space<vmem>>, vector<16xf32>,
        tpu.vector_store %arg8[%parallel_loop3A_148, %parallel_loop3A_149], %parallel_loop3A_147 {strides = array<i32>} : memref<400x128xf32, #tpu.memory_space<vmem>>, vector<16xf32>,
        %parallel_loop3A_151 = arith.mulf %parallel_loop3A_78, %parallel_loop3A_146 : vector<16xf32>
        %parallel_loop3A_152 = arith.index_cast %parallel_loop3A_72 : i32 to index
        %parallel_loop3A_153 = arith.constant 16 : index
        %parallel_loop3A_154 = tpu.vector_load %arg8[%parallel_loop3A_152, %parallel_loop3A_153] {strides = array<i32>} : memref<400x128xf32, #tpu.memory_space<vmem>>, vector<16xf32>,
        tpu.vector_store %arg8[%parallel_loop3A_152, %parallel_loop3A_153], %parallel_loop3A_151 {strides = array<i32>} : memref<400x128xf32, #tpu.memory_space<vmem>>, vector<16xf32>,
        %parallel_loop3A_155 = arith.mulf %parallel_loop3A_81, %parallel_loop3A_146 : vector<16xf32>
        %parallel_loop3A_156 = arith.index_cast %parallel_loop3A_72 : i32 to index
        %parallel_loop3A_157 = arith.constant 32 : index
        %parallel_loop3A_158 = tpu.vector_load %arg8[%parallel_loop3A_156, %parallel_loop3A_157] {strides = array<i32>} : memref<400x128xf32, #tpu.memory_space<vmem>>, vector<16xf32>,
        tpu.vector_store %arg8[%parallel_loop3A_156, %parallel_loop3A_157], %parallel_loop3A_155 {strides = array<i32>} : memref<400x128xf32, #tpu.memory_space<vmem>>, vector<16xf32>,
        %parallel_loop3A_159 = arith.mulf %parallel_loop3A_84, %parallel_loop3A_146 : vector<16xf32>
        %parallel_loop3A_160 = arith.index_cast %parallel_loop3A_72 : i32 to index
        %parallel_loop3A_161 = arith.constant 48 : index
        %parallel_loop3A_162 = tpu.vector_load %arg8[%parallel_loop3A_160, %parallel_loop3A_161] {strides = array<i32>} : memref<400x128xf32, #tpu.memory_space<vmem>>, vector<16xf32>,
        tpu.vector_store %arg8[%parallel_loop3A_160, %parallel_loop3A_161], %parallel_loop3A_159 {strides = array<i32>} : memref<400x128xf32, #tpu.memory_space<vmem>>, vector<16xf32>,
        %parallel_loop3A_163 = arith.mulf %parallel_loop3A_87, %parallel_loop3A_146 : vector<16xf32>
        %parallel_loop3A_164 = arith.index_cast %parallel_loop3A_72 : i32 to index
        %parallel_loop3A_165 = arith.constant 64 : index
        %parallel_loop3A_166 = tpu.vector_load %arg8[%parallel_loop3A_164, %parallel_loop3A_165] {strides = array<i32>} : memref<400x128xf32, #tpu.memory_space<vmem>>, vector<16xf32>,
        tpu.vector_store %arg8[%parallel_loop3A_164, %parallel_loop3A_165], %parallel_loop3A_163 {strides = array<i32>} : memref<400x128xf32, #tpu.memory_space<vmem>>, vector<16xf32>,
        %parallel_loop3A_167 = arith.mulf %parallel_loop3A_90, %parallel_loop3A_146 : vector<16xf32>
        %parallel_loop3A_168 = arith.index_cast %parallel_loop3A_72 : i32 to index
        %parallel_loop3A_169 = arith.constant 80 : index
        %parallel_loop3A_170 = tpu.vector_load %arg8[%parallel_loop3A_168, %parallel_loop3A_169] {strides = array<i32>} : memref<400x128xf32, #tpu.memory_space<vmem>>, vector<16xf32>,
        tpu.vector_store %arg8[%parallel_loop3A_168, %parallel_loop3A_169], %parallel_loop3A_167 {strides = array<i32>} : memref<400x128xf32, #tpu.memory_space<vmem>>, vector<16xf32>,
        %parallel_loop3A_171 = arith.mulf %parallel_loop3A_93, %parallel_loop3A_146 : vector<16xf32>
        %parallel_loop3A_172 = arith.index_cast %parallel_loop3A_72 : i32 to index
        %parallel_loop3A_173 = arith.constant 96 : index
        %parallel_loop3A_174 = tpu.vector_load %arg8[%parallel_loop3A_172, %parallel_loop3A_173] {strides = array<i32>} : memref<400x128xf32, #tpu.memory_space<vmem>>, vector<16xf32>,
        tpu.vector_store %arg8[%parallel_loop3A_172, %parallel_loop3A_173], %parallel_loop3A_171 {strides = array<i32>} : memref<400x128xf32, #tpu.memory_space<vmem>>, vector<16xf32>,
        %parallel_loop3A_175 = arith.mulf %parallel_loop3A_96, %parallel_loop3A_146 : vector<16xf32>
        %parallel_loop3A_176 = arith.index_cast %parallel_loop3A_72 : i32 to index
        %parallel_loop3A_177 = arith.constant 112 : index
        %parallel_loop3A_178 = tpu.vector_load %arg8[%parallel_loop3A_176, %parallel_loop3A_177] {strides = array<i32>} : memref<400x128xf32, #tpu.memory_space<vmem>>, vector<16xf32>,
        tpu.vector_store %arg8[%parallel_loop3A_176, %parallel_loop3A_177], %parallel_loop3A_175 {strides = array<i32>} : memref<400x128xf32, #tpu.memory_space<vmem>>, vector<16xf32>,
      } {sc.loop_unroll_factor = 2 : i64, sc.parallel_access}
      %dma_start3A_68 = arith.constant 0 : i32
      %dma_start3A_69 = tpu.memref_slice %arg4[%add3A_47, %dma_start3A_68] : memref<204800x128xf32, #tpu.memory_space<hbm>> -> memref<400x128xf32, #tpu.memory_space<hbm>>
      %dma_start3A_70 = arith.constant 0 : i32
      %dma_start3A_71 = tpu.memref_slice %arg4[%add3A_47, %dma_start3A_70] : memref<204800x128xf32, #tpu.memory_space<hbm>> -> memref<400x128xf32, #tpu.memory_space<hbm>>
      tpu.enqueue_dma source(%arg8 : memref<400x128xf32, #tpu.memory_space<vmem>>) target(%dma_start3A_71 : memref<400x128xf32, #tpu.memory_space<hbm>>) target_semaphore(%arg12 : memref<!tpu.dma_semaphore, #tpu.memory_space<semaphore_mem>>)
    }
    %scan3A_9 = arith.constant 8 : i32
    %add3A_10 = arith.constant 6000 : i32
    %add3A_11 = arith.addi %mul3A_2, %add3A_10 : i32
    %dma_wait3A = arith.constant 0 : i32
    %dma_wait3A_12 = tpu.memref_slice %arg4[%add3A_11, %dma_wait3A] : memref<204800x128xf32, #tpu.memory_space<hbm>> -> memref<400x128xf32, #tpu.memory_space<hbm>>
    %dma_wait3A_13 = arith.constant 0 : i32
    %dma_wait3A_14 = tpu.memref_slice %arg4[%add3A_11, %dma_wait3A_13] : memref<204800x128xf32, #tpu.memory_space<hbm>> -> memref<400x128xf32, #tpu.memory_space<hbm>>
    tpu.wait_dma2 semaphore(%arg12 : memref<!tpu.dma_semaphore, #tpu.memory_space<semaphore_mem>>) src(%arg8 : memref<400x128xf32, #tpu.memory_space<vmem>>) dst(%dma_wait3A_14 : memref<400x128xf32, #tpu.memory_space<hbm>>)
    return
  }
}

</mosaic_0001>

<sc_bundles>
// kernel: _lookup_normalize.3.cloned.1.call-start
scs
__scs_entry_jumppad:
0x0: {  	(pc) =	sbr.rel $0x88, $3  }
0x1: {  	(tag) =	ssettag $0x0;
	lr =	simm.s32 $0x1  }
0x2: {  	[smem:$0x3F9F] =	sst lr;
	_ =	strace $0xD0000000  }
0x3: {  	_ = 	snop  }
0x4: {  	_ = 	snop  }
0x5: {  	_ = 	snop  }
0x6: {  	_ = 	snop  }
0x7: {  	_ = 	snop  }
__scs_overlays_trampoline_lowered:
0x8: {  	[smem:$0x3FAE] =	sst s0  }
0x9: {  	[smem:$0x3FAF] =	sst s1  }
0xa: {  	[smem:$0x3FB0] =	sst s2  }
0xb: {  	[smem:$0x3FB1] =	sst s3  }
0xc: {  	[smem:$0x3FB2] =	sst s4  }
0xd: {  	[smem:$0x3FB3] =	sst s5  }
0xe: {  	[smem:$0x3FB4] =	sst s6  }
0xf: {  	[smem:$0x3FB5] =	sst s7  }
0x10: {  	[smem:$0x3FB6] =	sst s8  }
0x11: {  	[smem:$0x3FB7] =	sst s9;
	s0 =	simm.s32 @!p0 $0x0  }
0x12: {  	s1 =	sld [smem:$0x3F9D];
	s0 =	simm.s32 @p0 $0x1  }
0x13: {  	[smem:$0x3FB8] =	sst s0;
	s0 =	simm.s32 @!p1 $0x0  }
0x14: {  	s2 =	sld [smem:$0x3F9C];
	s0 =	simm.s32 @p1 $0x1  }
0x15: {  	[smem:$0x3FB9] =	sst s0;
	s0 =	simm.s32 @!p2 $0x0  }
0x16: {  	s3 =	sld [smem:$0x3FDB];
	s0 =	simm.s32 @p2 $0x1  }
0x17: {  	s4 =	simm.s32 $0x1BF5;
	[smem:$0x3FBB] =	sst s0  }
0x18: {  	s0 =	sld [smem:$0x3F9E];
	_ =	swait.ge [sflag:s4], $0x0  }
0x19: {  	s7 =	sld [smem:$0x3F9F]  }
0x1a: {  	s8 =	sadd.s32 $0xFFFFE003, lr  }
0x1b: {  	s9 =	sadd.s32 $0xFFFFFEF7, lr;
	s5 =	simm.s32 $0xFFFFFFFF;
	p2 =	slt.u32 s8, $0xFFFFF086  }
0x1c: {  	p1 =	slt.u32 s9, $0xF7A;
	s5 =	simm.s32 @!p2 $0x0  }
0x1d: {  	s5 =	simm.s32 @p1 $0x1;
	p0 =	seq.s32 s7, s2  }
0x1e: {  	s7 =	smul.u32 @!p0 $0xF7A, s2;
	p2 =	seq.s32 @!p0 s5, $0x0  }
0x1f: {  	s9 =	smul.u32 $0xF7A, s1;
	s8 =	simm.s32 @!p0 $0x1BF5;
	p2 =	por !p2, p0  }
0x20: {  	[sflag:s8] =	ssyncset.s32 @!p0 $0xFFFFF086;
	s6 =	sadd.s32 @!p0 s3, s7;
	s7 =	simm.s32 @!p0 $0x108  }
0x21: {  	s3 =	sadd.s32 s3, s9;
	s6 =	sadd.s32 @!p0 $0x88, s6;
	s7 =	simm.s32 @p2 $0x1082  }
0x22: {  	[simem:s7], [sflag:s8] =	dma.local @!p0 [hbm:s6], $0xF7A  }
0x23: {  	s9 =	sor.u32 $0xD0000000, s2;
	s6 =	simm.s32 $0x108;
	_ =	swait.ge @!p0 [sflag:s8], $0x0  }
0x24: {  	s3 =	sadd.s32 $0x88, s3;
	s6 =	simm.s32 @!p1 $0x1082;
	[sflag:s4] =	ssyncset.s32 $0xFFFFF086  }
0x25: {  	[simem:s6], [sflag:s4] =	dma.local [hbm:s3], $0xF7A  }
0x26: {  	[smem:$0x3F9F] =	sst s1;
	(tag) =	ssettag s2;
	_ =	strace s9  }
0x27: {  	s1 =	sld [smem:$0x3FAF]  }
0x28: {  	s2 =	sld [smem:$0x3FB0]  }
0x29: {  	s4 =	sld [smem:$0x3FB2]  }
0x2a: {  	p0 =	seq.s32 s5, $0x0;
	s5 =	sld [smem:$0x3FB3]  }
0x2b: {  	s6 =	sld [smem:$0x3FB4]  }
0x2c: {  	s7 =	sld [smem:$0x3FB5]  }
0x2d: {  	s3 =	simm.s32 $0x108;
	s8 =	sld [smem:$0x3FB6]  }
0x2e: {  	s3 =	simm.s32 @!p0 $0x1082;
	s9 =	sld [smem:$0x3FB7]  }
0x2f: {  	lr =	sadd.s32 s0, s3;
	s0 =	sld [smem:$0x3FAE]  }
0x30: {  	s3 =	sld [smem:$0x3FB1]  }
0x31: {  	[smem:$0x3FBA] =	sst s10  }
0x32: {  	s10 =	sld [smem:$0x3FB8];
	_ =	sdelay $0x3  }
0x33: {  	p0 =	seq.s32 s10, $0x1;
	s10 =	sld [smem:$0x3FBA];
	_ =	sdelay $0x3  }
0x34: {  	[smem:$0x3FBA] =	sst s10  }
0x35: {  	s10 =	sld [smem:$0x3FB9];
	_ =	sdelay $0x3  }
0x36: {  	p1 =	seq.s32 s10, $0x1;
	s10 =	sld [smem:$0x3FBA];
	_ =	sdelay $0x3  }
0x37: {  	[smem:$0x3FBA] =	sst s10  }
0x38: {  	s10 =	sld [smem:$0x3FBB]  }
0x39: {  	_ = 	snop;
	(pc) =	sbr.ind lr, $3  }
0x3a: {  	_ = 	snop  }
0x3b: {  	_ = 	snop  }
0x3c: {  	p2 =	seq.s32 s10, $0x1;
	s10 =	sld [smem:$0x3FBA]  }
0x3d: {  	_ =	shalt  }
0x3e: {  	_ =	shalt  }
0x3f: {  	_ =	shalt  }
0x40: {  	_ =	shalt  }
0x41: {  	_ =	shalt  }
0x42: {  	_ =	shalt  }
0x43: {  	_ =	shalt  }
0x44: {  	_ =	shalt  }
0x45: {  	_ =	shalt  }
0x46: {  	_ =	shalt  }
0x47: {  	_ =	shalt  }
0x48: {  	_ =	shalt  }
0x49: {  	_ =	shalt  }
0x4a: {  	_ =	shalt  }
0x4b: {  	_ =	shalt  }
0x4c: {  	_ =	shalt  }
0x4d: {  	_ =	shalt  }
0x4e: {  	_ =	shalt  }
0x4f: {  	_ =	shalt  }
0x50: {  	_ =	shalt  }
0x51: {  	_ =	shalt  }
0x52: {  	_ =	shalt  }
0x53: {  	_ =	shalt  }
0x54: {  	_ =	shalt  }
0x55: {  	_ =	shalt  }
0x56: {  	_ =	shalt  }
0x57: {  	_ =	shalt  }
0x58: {  	_ =	shalt  }
0x59: {  	_ =	shalt  }
0x5a: {  	_ =	shalt  }
0x5b: {  	_ =	shalt  }
0x5c: {  	_ =	shalt  }
0x5d: {  	_ =	shalt  }
0x5e: {  	_ =	shalt  }
0x5f: {  	_ =	shalt  }
0x60: {  	_ =	shalt  }
0x61: {  	_ =	shalt  }
0x62: {  	_ =	shalt  }
0x63: {  	_ =	shalt  }
0x64: {  	_ =	shalt  }
0x65: {  	_ =	shalt  }
0x66: {  	_ =	shalt  }
0x67: {  	_ =	shalt  }
0x68: {  	_ =	shalt  }
0x69: {  	_ =	shalt  }
0x6a: {  	_ =	shalt  }
0x6b: {  	_ =	shalt  }
0x6c: {  	_ =	shalt  }
0x6d: {  	_ =	shalt  }
0x6e: {  	_ =	shalt  }
0x6f: {  	_ =	shalt  }
0x70: {  	_ =	shalt  }
0x71: {  	_ =	shalt  }
0x72: {  	_ =	shalt  }
0x73: {  	_ =	shalt  }
0x74: {  	_ =	shalt  }
0x75: {  	_ =	shalt  }
0x76: {  	_ =	shalt  }
0x77: {  	_ =	shalt  }
0x78: {  	_ =	shalt  }
0x79: {  	_ =	shalt  }
0x7a: {  	_ =	shalt  }
0x7b: {  	_ =	shalt  }
0x7c: {  	_ =	shalt  }
0x7d: {  	_ =	shalt  }
0x7e: {  	_ =	shalt  }
0x7f: {  	_ =	shalt  }
0x80: {  	_ =	shalt  }
0x81: {  	_ =	shalt  }
0x82: {  	_ =	shalt  }
0x83: {  	_ =	shalt  }
0x84: {  	_ =	shalt  }
0x85: {  	_ =	shalt  }
0x86: {  	_ =	shalt  }
0x87: {  	_ =	shalt  }
.Lfunc_end0:
.L_simem_size_0:
called_computation_lowered:
.L_overlay_start_0:
0x88: {  	s2 =	sld [smem:$0x3FD9]  }
0x89: {  	s3 =	sld [smem:$0x3FFE];
	_ =	sdelay $0x1  }
0x8a: {  	s1 =	srdreg.scid  }
0x8b: {  	s0 =	sand.u32 $0x1, s1  }
0x8c: {  	s18 =	sshll.u32 s0, $0xA;
	s2 =	sadd.s32 s3, s2  }
0x8d: {  	s2 =	sadd.s32 s2, s18  }
0x8e: {  	[smem:$0x3FC6] =	sst s2  }
0x8f: {  	_ = 	snop  }
0x90: {  	s2 =	sld [smem:$0x3FC9]  }
0x91: {  	s19 =	sld [smem:$0x3FC8]  }
0x92: {  	s4 =	sld [smem:$0x3FD0];
	(tm) =	ssettm $0x1  }
0x93: {  	s5 =	sld [smem:$0x3FFB];
	_ =	sdelay $0x3  }
0x94: {  	_ =	strace s5  }
0x95: {  	s5 =	sld [smem:$0x3FFC];
	_ =	sdelay $0x3  }
0x96: {  	_ =	strace s5  }
0x97: {  	s5 =	sld [smem:$0x3FFD];
	_ =	sdelay $0x3  }
0x98: {  	_ =	strace s5  }
0x99: {  	_ =	strace $0x8FFFFFFF  }
0x9a: {  	s20 =	sld [smem:$0x3FDB];
	_ =	sdelay $0x1  }
0x9b: {  	s6 =	simm.s32 $_scs_section_size  }
0x9c: {  	s7 =	simm.s32 $_size__tile_overlayer_lowered;
	s8 =	simm.s32 $_tile_overlayer_lowered  }
0x9d: {  	s23 =	simm.s32 $0x1BFF;
	s22 =	sshll.u32 s8, $0x1;
	s5 =	sadd.s32 s6, s20  }
0x9e: {  	s9 =	simm.s32 $0x0;
	s21 =	sshll.u32 s7, $0x1;
	s7 =	sadd.s32 s22, s5  }
0x9f: {  	[timem:s9], [sflag:s23] =	dma.local [hbm:s7], s21  }
0xa0: {  	_ =	swait.ge [sflag:s23], s21  }
0xa1: {  	s6 =	ssub.s32 $0x0, s21;
	[sflag:s23] =	ssyncset.done $0x0  }
0xa2: {  	[sflag:s23] =	ssyncadd.s32 s6;
	_ =	sdelay $0x1  }
0xa3: {  	s24 =	simm.s32 $0x1B8B  }
0xa4: {  	_ =	swait.ge [sflag:s24], $0x1  }
0xa5: {  	[sflag:s24] =	ssyncset.done $0x0  }
0xa6: {  	s25 =	simm.s32 $0x1B8E;
	[sflag:s24] =	ssyncadd.s32 $0xFFFFFFFF  }
0xa7: {  	s26 =	simm.s32 $execute0_lowered;
	[smem:$0x3FD2] =	sst s25  }
0xa8: {  	s6 =	sshll.u32 s26, $0x1;
	_ =	strace $0x80000046;
	[dreg:$0x1] =	wrdreg $0xFFFFFFFF  }
0xa9: {  	s28 =	simm.s32 $_size_execute0_lowered;
	s5 =	sadd.s32 s5, s6;
	[dreg:$0x0] =	wrdreg $0x0  }
0xaa: {  	s6 =	sshll.u32 s28, $0x1;
	[dreg:$0x2] =	wrdreg s5  }
0xab: {  	[dreg:$0x3] =	wrdreg s6  }
0xac: {  	[dreg:$0x4] =	wrdreg $0xC0  }
0xad: {  	_ =	task [dreg:s9], $0x5FFFF  }
0xae: {  	[dreg:$0x1] =	wrdreg $0xFFFFFFFF  }
0xaf: {  	[dreg:$0x0] =	wrdreg $0x60  }
0xb0: {  	[dreg:$0x2] =	wrdreg s2  }
0xb1: {  	[dreg:$0x3] =	wrdreg s19  }
0xb2: {  	[dreg:$0x4] =	wrdreg s4  }
0xb3: {  	[dreg:$0x5] =	wrdreg $0x9  }
0xb4: {  	_ =	task.clear_ibuf [dreg:s9], $0x6FFFF;
	_ =	strace $0x90000046  }
0xb5: {  	s29 =	simm.s32 $0x9;
	_ =	strace $0x80000048  }
0xb6: {  	_ =	swait.ge [sflag:s29], $0x1  }
0xb7: {  	[sflag:s29] =	ssyncadd.s32 $0xFFFFFFFF  }
0xb8: {  	_ =	strace $0x90000048  }
0xb9: {  	_ =	sfence  }
0xba: {  	s30 =	sld [smem:$0x0];
	_ =	sdelay $0x2  }
0xbb: {  	s31 =	sshll.u32 s1, $0xD;
	s1 =	sshrl.u32 s1, $0x2  }
0xbc: {  	s3 =	sand.u32 $0x4000, s31;
	s1 =	sadd.s32 s1, s30  }
0xbd: {  	s0 =	sor.u32 s3, s0;
	s1 =	sshll.u32 s1, $0x11  }
0xbe: {  	s0 =	sor.u32 s1, s0  }
0xbf: {  	s0 =	sadd.s32 $0x8F2B, s0  }
0xc0: {  	[sflag:s0] =	ssyncadd.remote.s32 $0x1  }
0xc1: {  	_ =	sfence.sel $0xFFFF  }
0xc2: {  	[dreg:$0x0] =	wrdreg $0xFFFFFFFF;
	(pc) =	sbr.abs _section_cstart, $3  }
0xc3: {  	[dreg:$0x1] =	wrdreg $0xFFFFFFFF  }
0xc4: {  	_ =	task.clear_ibuf [dreg:s9], $0x2FFFF;
	_ =	strace $0x9FFFFFFF  }
0xc5: {  	(tm) =	ssettm $0x7FFFFFFF  }
tec
execute0_lowered:
.L_overlay_start_1:
0x0: {  	(tag) =	ssettag $0x1  }
0x1: {  	s1 =	rddreg [dreg:$0x0]  }
0x2: {  	s2 =	srdreg.scid;
	s3 =	rddreg [dreg:$0x1]  }
0x3: {  	s0 =	stileid.u32;
	s4 =	rddreg [dreg:$0x2];
	s6 =	simm.s32 $0x0  }
0x4: {  	s11 =	simm.s32 $0x190;
	s12 =	simm.s32 $0x400;
	s13 =	simm.s32 $0x200  }
0x5: {  	s14 =	simm.s32 $0xCC00;
	s15 =	simm.s32 $0x1;
	s16 =	simm.s32 $0x3  }
0x6: {  	s17 =	simm.s32 $0x2;
	s7 =	sand.u32 $0x1, s2;
	s31 =	sshll.u32 s0, $0x1  }
0x7: {  	s18 =	simm.s32 $0x4;
	s19 =	simm.s32 $0x0;
	s2 =	sor.u32 s7, s31  }
0x8: {  	[smem:$0x7FF] =	sst s6;
	s7 =	ssub.s32 $0x2, s7;
	s5 =	smul.u32 $0x1900, s2  }
0x9: {  	s2 =	rddreg [dreg:$0x3];
	s8 =	sshrl.u32 s7, $0x1;
	_ =	strace $0x80000047  }
0xa: {  	s10 =	ssub.s32 s7, s8;
	s9 =	sshrl.u32 s5, $0x3;
	s8 =	sadd.s32 $0x190, s5  }
0xb: {  	v0 =	vimm.s32 $0xF;
	s7 =	sadd.s32 s1, s9;
	s9 =	smax.u32 s10, $0x1;
	s10 =	simm.s32 $0x5  }
.LBB2_1:
0xc: {  	[tilespmem:s6], [sflag:$0x5] =	stream.linear.gather [hbm4b:s7+s6], $0x190, $0x38;
	[tilespmem:$0x19400] =	vst v63  }
0xd: {  	_ =	swait.ge [sflag:s10], $0x190  }
0xe: {  	[sflag:s10] =	ssyncset.done $0x0  }
0xf: {  	s20 =	simm.s32 $0x0;
	[sflag:s10] =	ssyncadd.s32 $0xFFFFFE70  }
0x10: {  	[tilespmem:s12], [sflag:$0x1] =	stream.indirect.gather [hbm4b:s3+s11], $0x80, s6, s11, $0xb8;
	[tilespmem:$0x19400] =	vst v63  }
.LBB2_2:
0x11: {  	s21 =	smul.u32 $0x320, s20  }
0x12: {  	p0 =	seq.s32 s20, $0x0  }
0x13: {  	s23 =	simm.s32 @!p0 $0x4;
	s22 =	sadd.s32 s5, s21  }
0x14: {  	_ =	swait.ge @!p0 [sflag:s23], $0xC800;
	s24 =	sshrl.u32 s22, $0x3  }
0x15: {  	[sflag:s23] =	ssyncset.done @!p0 $0x0;
	s24 =	sadd.s32 s1, s24  }
0x16: {  	[sflag:s23] =	ssyncadd.s32 @!p0 $0xFFFF3800;
	s31 =	sadd.s32 $0x32, s24  }
0x17: {  	[tilespmem:s13], [sflag:$0x5] =	stream.linear.gather [hbm4b:s31+s6], $0x190, $0x38;
	[tilespmem:$0x19400] =	vst v63  }
0x18: {  	_ =	swait.ge [sflag:s10], $0x190  }
0x19: {  	[sflag:s10] =	ssyncset.done $0x0  }
0x1a: {  	[sflag:s10] =	ssyncadd.s32 $0xFFFFFE70  }
0x1b: {  	[tilespmem:s14], [sflag:$0x2] =	stream.indirect.gather [hbm4b:s3+s11], $0x80, s13, s11, $0xb8;
	[tilespmem:$0x19400] =	vst v63  }
0x1c: {  	_ =	swait.ge [sflag:s15], $0xC800  }
0x1d: {  	[sflag:s15] =	ssyncset.done $0x0  }
0x1e: {  	s24 =	simm.s32 $0x480;
	[sflag:s15] =	ssyncadd.s32 $0xFFFF3800  }
0x1f: {  	v15 =	vld [tilespmem:s24+$0x0]  }
0x20: {  	v17 =	vld [tilespmem:s24+$0x10];
	_ =	sdelay $0x1  }
0x21: {  	v21 =	vld [tilespmem:s24+$0x20];
	_ =	sdelay $0x1  }
0x22: {  	v22 =	vld [tilespmem:s24+$0x30]  }
0x23: {  	v1 =	vmul.f32 v15, v15;
	v2 =	vmul.f32 v17, v17  }
0x24: {  	v23 =	vld [tilespmem:s24+$0x40]  }
0x25: {  	v19 =	vld [tilespmem:s24+$0x50];
	v3 =	vmul.f32 v21, v21;
	v1 =	vadd.f32 v2, v1  }
0x26: {  	v31 =	vld [tilespmem:s24+$0xFFFFFF90]  }
0x27: {  	v33 =	vld [tilespmem:s24+$0xFFFFFF80];
	v2 =	vmul.f32 v22, v22;
	v1 =	vadd.f32 v3, v1  }
0x28: {  	v26 =	vld [tilespmem:s24+$0x60]  }
0x29: {  	v18 =	vld [tilespmem:s24+$0x70];
	v1 =	vadd.f32 v2, v1;
	v2 =	vmul.f32 v23, v23  }
0x2a: {  	v34 =	vld [tilespmem:s24+$0xFFFFFFA0]  }
0x2b: {  	v1 =	vadd.f32 v2, v1;
	v2 =	vmul.f32 v19, v19  }
0x2c: {  	v32 =	vld [tilespmem:s24+$0xFFFFFFB0];
	v4 =	vmul.f32 v31, v31;
	v3 =	vmul.f32 v33, v33  }
0x2d: {  	v1 =	vadd.f32 v2, v1;
	v2 =	vmul.f32 v26, v26  }
0x2e: {  	v35 =	vld [tilespmem:s24+$0xFFFFFFC0];
	v3 =	vadd.f32 v4, v3  }
0x2f: {  	v4 =	vmul.f32 v34, v34;
	v1 =	vadd.f32 v2, v1;
	v2 =	vmul.f32 v18, v18  }
0x30: {  	v36 =	vld [tilespmem:s24+$0xFFFFFFD0]  }
0x31: {  	v1 =	vadd.f32 v2, v1;
	v2 =	vadd.f32 v4, v3;
	v3 =	vmul.f32 v32, v32  }
0x32: {  	v38 =	vld [tilespmem:s24+$0xFFFFFFE0]  }
0x33: {  	s23 =	simm.s32 $0x580;
	v39 =	vld [tilespmem:s24+$0xFFFFFFF0];
	(xrf2) =	vadd.scan.msk.f32 $0xffff, v1;
	v1 =	vadd.f32 v3, v2;
	v2 =	vmul.f32 v35, v35  }
0x34: {  	v37 =	vld [tilespmem:s23+$0x0]  }
0x35: {  	v4 =	vld [tilespmem:s23+$0x10];
	v1 =	vadd.f32 v2, v1;
	v2 =	vmul.f32 v36, v36;
	_ =	sdelay $0x1  }
0x36: {  	v5 =	vld [tilespmem:s23+$0x20];
	v1 =	vadd.f32 v2, v1;
	v2 =	vmul.f32 v38, v38;
	_ =	sdelay $0x1  }
0x37: {  	v6 =	vmul.f32 v39, v39;
	v3 =	vld [tilespmem:s23+$0x30];
	v1 =	vadd.f32 v2, v1  }
0x38: {  	v7 =	vmul.f32 v4, v4;
	v2 =	vmul.f32 v37, v37  }
0x39: {  	v1 =	vadd.f32 v6, v1  }
0x3a: {  	v10 =	vmul.f32 v5, v5;
	v6 =	vld [tilespmem:s23+$0x40];
	v7 =	vadd.f32 v7, v2  }
0x3b: {  	v2 =	vld [tilespmem:s23+$0xFFFFFF90];
	v8, _, _ =	vpop (xrf2);
	(xrf2) =	vadd.scan.msk.f32 $0xffff, v1  }
0x3c: {  	v12 =	vmul.f32 v3, v3;
	v10 =	vadd.f32 v10, v7;
	v9 =	vperm.xlane v8, v0;
	v8 =	vld [tilespmem:s23+$0x50]  }
0x3d: {  	v1 =	vld [tilespmem:s23+$0xFFFFFF80]  }
0x3e: {  	v7 =	vld [tilespmem:s23+$0x60];
	v10 =	vadd.f32 v12, v10;
	v9 =	vmax.f32 v9, $1.000000020e-24  }
0x3f: {  	v11 =	vld [tilespmem:s23+$0xFFFFFFA0];
	v12 =	vmul.f32 v6, v6;
	v13 =	vshra.s32 v9, $0x1;
	v14 =	vmul.f32 $5.000000000e-01, v9  }
0x40: {  	v40 =	vld [tilespmem:s23+$0x70];
	v24 =	vmul.f32 v2, v2;
	v9 =	vsub.s32 $0x5F3759DF, v13  }
0x41: {  	v10 =	vadd.f32 v12, v10;
	v13 =	vld [tilespmem:s23+$0xFFFFFFB0];
	v16 =	vmul.f32 v9, v14;
	v12 =	vmul.f32 v8, v8  }
0x42: {  	v20 =	vmul.f32 v1, v1  }
0x43: {  	v25 =	vmul.f32 v7, v7;
	v16 =	vmul.f32 v9, v16;
	v10 =	vadd.f32 v12, v10  }
0x44: {  	v27 =	vmul.f32 v11, v11;
	v20 =	vadd.f32 v24, v20  }
0x45: {  	v12 =	vld [tilespmem:s23+$0xFFFFFFC0];
	v16 =	vsub.f32 $1.500000000e+00, v16;
	v24, _, _ =	vpop (xrf2);
	v10 =	vadd.f32 v25, v10;
	v25 =	vmul.f32 v40, v40  }
0x46: {  	v20 =	vadd.f32 v27, v20;
	v27 =	vmul.f32 v13, v13;
	v24 =	vperm.xlane v24, v0  }
0x47: {  	v16 =	vmul.f32 v9, v16;
	v9 =	vld [tilespmem:s23+$0xFFFFFFD0]  }
0x48: {  	v25 =	vadd.f32 v25, v10;
	v20 =	vadd.f32 v27, v20;
	v24 =	vmax.f32 v24, $1.000000020e-24  }
0x49: {  	v14 =	vmul.f32 v16, v14;
	v27 =	vshra.s32 v24, $0x1;
	v24 =	vmul.f32 $5.000000000e-01, v24  }
0x4a: {  	v10 =	vld [tilespmem:s23+$0xFFFFFFE0];
	(xrf2) =	vadd.scan.msk.f32 $0xffff, v25;
	v25 =	vmul.f32 v12, v12;
	v27 =	vsub.s32 $0x5F3759DF, v27  }
0x4b: {  	v28 =	vmul.f32 v14, v16;
	v14 =	vld [tilespmem:s23+$0xFFFFFFF0];
	v29 =	vmul.f32 v27, v24  }
0x4c: {  	v20 =	vadd.f32 v25, v20;
	v25 =	vmul.f32 v9, v9  }
0x4d: {  	v28 =	vsub.f32 $1.500000000e+00, v28;
	v29 =	vmul.f32 v27, v29  }
0x4e: {  	v20 =	vadd.f32 v25, v20  }
0x4f: {  	s25 =	simm.s32 $0x680;
	v25 =	vmul.f32 v10, v10;
	v28 =	vmul.f32 v28, v16;
	v29 =	vsub.f32 $1.500000000e+00, v29  }
0x50: {  	v16 =	vld [tilespmem:s25+$0x0];
	v30 =	vmul.f32 v14, v14  }
0x51: {  	v25 =	vadd.f32 v25, v20;
	v20 =	vld [tilespmem:s25+$0x20];
	v41 =	vmul.f32 v28, v18;
	v42 =	vmul.f32 v27, v29  }
0x52: {  	v18 =	vld [tilespmem:s25+$0x10];
	v43 =	vmul.f32 v28, v15;
	v44 =	vmul.f32 v28, v17  }
0x53: {  	v45 =	vmul.f32 v28, v21;
	v15 =	vld [tilespmem:s25+$0xFFFFFF90];
	v46 =	vmul.f32 v28, v22  }
0x54: {  	v47 =	vmul.f32 v28, v23;
	v22 =	vld [tilespmem:s25+$0x30];
	v48 =	vmul.f32 v28, v19;
	v25 =	vadd.f32 v30, v25  }
0x55: {  	v21 =	vld [tilespmem:s25+$0xFFFFFF80];
	v55 =	vmul.f32 v28, v26;
	v24 =	vmul.f32 v42, v24;
	v17, _, _ =	vpop (xrf2)  }
0x56: {  	v23 =	vld [tilespmem:s25+$0x40];
	(xrf2) =	vadd.scan.msk.f32 $0xffff, v25;
	v25 =	vperm.xlane v17, v0;
	v27 =	vmul.f32 v16, v16  }
0x57: {  	v17 =	vld [tilespmem:s25+$0xFFFFFFA0];
	v30 =	vmul.f32 v24, v42;
	v49 =	vmul.f32 v20, v20  }
0x58: {  	v19 =	vld [tilespmem:s25+$0xFFFFFFB0];
	v29 =	vmul.f32 v18, v18;
	v24 =	vmax.f32 v25, $1.000000020e-24;
	v51 =	vmul.f32 v15, v15  }
0x59: {  	v25 =	vld [tilespmem:s25+$0x50];
	v62 =	vmul.f32 v22, v22;
	v50 =	vmul.f32 $5.000000000e-01, v24;
	v24 =	vshra.s32 v24, $0x1  }
0x5a: {  	v27 =	vadd.f32 v29, v27;
	v29 =	vmul.f32 v21, v21;
	v52 =	vsub.s32 $0x5F3759DF, v24;
	v24 =	vld [tilespmem:s25+$0xFFFFFFC0]  }
0x5b: {  	v28 =	vmul.f32 v23, v23;
	v61 =	vsub.f32 $1.500000000e+00, v30;
	v53 =	vmul.f32 v52, v50  }
0x5c: {  	v54 =	vmul.f32 v17, v17;
	v27 =	vadd.f32 v49, v27;
	v51 =	vadd.f32 v51, v29  }
0x5d: {  	v60 =	vmul.f32 v19, v19;
	v29 =	vld [tilespmem:s25+$0x60];
	v63 =	vmul.f32 v52, v53  }
0x5e: {  	v26 =	vld [tilespmem:s25+$0xFFFFFFD0];
	v27 =	vadd.f32 v62, v27;
	v51 =	vadd.f32 v54, v51;
	v54 =	vmul.f32 v61, v42  }
0x5f: {  	v30 =	vld [tilespmem:s25+$0x70];
	v57 =	vmul.f32 v25, v25;
	v49 =	vsub.f32 $1.500000000e+00, v63;
	v62 =	vmul.f32 v24, v24  }
0x60: {  	[tilespmem:s24+$0x70] =	vst v41;
	v56 =	vadd.f32 v28, v27;
	v28, _, _ =	vpop (xrf2);
	v27 =	vld [tilespmem:s25+$0xFFFFFFE0];
	v51 =	vadd.f32 v60, v51;
	v33 =	vmul.f32 v54, v33  }
0x61: {  	[tilespmem:s24+$0x0] =	vst v43;
	v58 =	vperm.xlane v28, v0;
	v42 =	vmul.f32 v52, v49  }
0x62: {  	[tilespmem:s24+$0x10] =	vst v44;
	v28 =	vld [tilespmem:s25+$0xFFFFFFF0];
	v63 =	vmul.f32 v29, v29;
	v56 =	vadd.f32 v57, v56;
	v60 =	vadd.f32 v62, v51  }
0x63: {  	[tilespmem:s24+$0x20] =	vst v45;
	v62 =	vmul.f32 v26, v26;
	v61 =	vmax.f32 v58, $1.000000020e-24;
	v50 =	vmul.f32 v42, v50  }
0x64: {  	[tilespmem:s24+$0x30] =	vst v46;
	v43 =	vadd.f32 v63, v56;
	v63 =	vshra.s32 v61, $0x1;
	v56 =	vmul.f32 v30, v30  }
0x65: {  	[tilespmem:s24+$0x40] =	vst v47;
	v41 =	vmul.f32 $5.000000000e-01, v61;
	v49 =	vadd.f32 v62, v60;
	v57 =	vmul.f32 v27, v27  }
0x66: {  	[tilespmem:s24+$0x50] =	vst v48;
	v44 =	vsub.s32 $0x5F3759DF, v63;
	v50 =	vmul.f32 v50, v42;
	v43 =	vadd.f32 v56, v43  }
0x67: {  	[tilespmem:s24+$0x60] =	vst v55;
	v58 =	vmul.f32 v28, v28;
	v60 =	vmul.f32 v44, v41;
	v59 =	vadd.f32 v57, v49  }
0x68: {  	v31 =	vmul.f32 v54, v31;
	v34 =	vmul.f32 v54, v34;
	v61 =	vsub.f32 $1.500000000e+00, v50;
	(xrf2) =	vadd.scan.msk.f32 $0xffff, v43  }
0x69: {  	[tilespmem:s24+$0xFFFFFF80] =	vst v33;
	v63 =	vmul.f32 v54, v32;
	v62 =	vmul.f32 v44, v60;
	v46 =	vadd.f32 v58, v59  }
0x6a: {  	[tilespmem:s24+$0xFFFFFF90] =	vst v31;
	v32 =	vmul.f32 v54, v35;
	v33 =	vmul.f32 v61, v42  }
0x6b: {  	v42 =	vmul.f32 v54, v36;
	v36 =	vmul.f32 v54, v38;
	v31 =	vsub.f32 $1.500000000e+00, v62;
	(xrf2) =	vadd.scan.msk.f32 $0xffff, v46  }
0x6c: {  	[tilespmem:s24+$0xFFFFFFA0] =	vst v34;
	v38 =	vmul.f32 v54, v39;
	v40 =	vmul.f32 v33, v40  }
0x6d: {  	s26 =	simm.s32 $0x4;
	s28 =	simm.s32 $0x780;
	[tilespmem:s24+$0xFFFFFFB0] =	vst v63;
	v35 =	vmul.f32 v33, v37;
	v34 =	vmul.f32 v44, v31  }
.LBB2_3:
0x6e: {  	v31 =	vld [tilespmem:s28+$0x0];
	v37 =	vmul.f32 v33, v4;
	v39 =	vmul.f32 v33, v5;
	[tilespmem:s23+$0x70] =	vst v40;
	v4 =	vmovc v18;
	v5 =	vmov v20  }
0x6f: {  	s26 =	sadd.s32 $0x2, s26;
	v18 =	vld [tilespmem:s28+$0x10];
	v45 =	vmul.f32 v34, v41;
	v41 =	vmul.f32 v33, v3;
	[tilespmem:s24+$0xFFFFFFC0] =	vst v32;
	v3 =	vmovc v22;
	v32 =	vmov v12  }
0x70: {  	v43 =	vmul.f32 v33, v6;
	v44 =	vmul.f32 v33, v8;
	v6 =	vmovc v23;
	v8 =	vmov v25;
	p0 =	slt.u32 s26, $0x18E;
	v20 =	vld [tilespmem:s28+$0x20];
	[tilespmem:s24+$0xFFFFFFD0] =	vst v42  }
0x71: {  	v33 =	vmul.f32 v33, v7;
	v12 =	vmovc v24;
	v7 =	vmov v29;
	v42 =	vld [tilespmem:s28+$0xFFFFFF90];
	v23 =	vmul.f32 v45, v34;
	[tilespmem:s24+$0xFFFFFFE0] =	vst v36  }
0x72: {  	v40 =	vmov v30;
	v36 =	vld [tilespmem:s28+$0xFFFFFF80];
	v24, _, _ =	vpop (xrf2);
	[tilespmem:s24+$0xFFFFFFF0] =	vst v38;
	v38 =	vmov v9;
	v9 =	vmov v26;
	s24 =	smov.u32 s23;
	s23 =	smov.u32 s25;
	s25 =	smov.u32 s28  }
0x73: {  	v22 =	vld [tilespmem:s28+$0x30];
	v24 =	vperm.xlane v24, v0;
	v25 =	vsub.f32 $1.500000000e+00, v23;
	[tilespmem:s24+$0x0] =	vst v35;
	v35 =	vmovc v10;
	v10 =	vmovc v27;
	v45 =	vmov v14  }
0x74: {  	v26 =	vmul.f32 v31, v31;
	v14 =	vmov v28;
	v46 =	vld [tilespmem:s28+$0xFFFFFFA0];
	v27 =	vmul.f32 v18, v18;
	[tilespmem:s24+$0x10] =	vst v37  }
0x75: {  	v23 =	vld [tilespmem:s28+$0x40];
	v28 =	vmul.f32 v20, v20;
	v24 =	vmax.f32 v24, $1.000000020e-24;
	v30, _, _ =	vpop (xrf2);
	v34 =	vmul.f32 v25, v34;
	[tilespmem:s24+$0x20] =	vst v39  }
0x76: {  	v37 =	vld [tilespmem:s28+$0xFFFFFFB0];
	v26 =	vadd.f32 v27, v26;
	v27 =	vshra.s32 v24, $0x1;
	v39 =	vmul.f32 $5.000000000e-01, v24;
	[tilespmem:s24+$0x30] =	vst v41  }
0x77: {  	v41 =	vmul.f32 v42, v42;
	v29 =	vmul.f32 v36, v36;
	v25 =	vld [tilespmem:s28+$0x50];
	v47 =	vsub.s32 $0x5F3759DF, v27;
	[tilespmem:s24+$0x40] =	vst v43  }
0x78: {  	v24 =	vld [tilespmem:s28+$0xFFFFFFC0];
	v27 =	vadd.f32 v28, v26;
	v28 =	vmul.f32 v22, v22;
	v43 =	vmul.f32 v47, v39;
	[tilespmem:s24+$0x50] =	vst v44  }
0x79: {  	v48 =	vperm.xlane v30, v0;
	v41 =	vadd.f32 v41, v29;
	v44 =	vmul.f32 v46, v46;
	v29 =	vld [tilespmem:s28+$0x60];
	[tilespmem:s24+$0x60] =	vst v33  }
0x7a: {  	v26 =	vld [tilespmem:s28+$0xFFFFFFD0];
	v28 =	vadd.f32 v28, v27;
	v33 =	vmul.f32 v23, v23;
	v43 =	vmul.f32 v47, v43  }
0x7b: {  	v48 =	vmax.f32 v48, $1.000000020e-24;
	v41 =	vadd.f32 v44, v41;
	v44 =	vmul.f32 v37, v37;
	v30 =	vld [tilespmem:s28+$0x70]  }
0x7c: {  	v27 =	vld [tilespmem:s28+$0xFFFFFFE0];
	v33 =	vadd.f32 v33, v28;
	v49 =	vmul.f32 v25, v25;
	v43 =	vsub.f32 $1.500000000e+00, v43  }
0x7d: {  	v50 =	vshra.s32 v48, $0x1;
	v28 =	vld [tilespmem:s28+$0xFFFFFFF0];
	v41 =	vadd.f32 v44, v41;
	v44 =	vmul.f32 v24, v24  }
0x7e: {  	v33 =	vadd.f32 v49, v33;
	v49 =	vmul.f32 v29, v29;
	v43 =	vmul.f32 v47, v43  }
0x7f: {  	v44 =	vadd.f32 v44, v41;
	v47 =	vmul.f32 v26, v26;
	v41 =	vmul.f32 $5.000000000e-01, v48  }
0x80: {  	v33 =	vadd.f32 v49, v33;
	v48 =	vmul.f32 v30, v30;
	v39 =	vmul.f32 v43, v39  }
0x81: {  	v49 =	vsub.s32 $0x5F3759DF, v50;
	v44 =	vadd.f32 v47, v44;
	v47 =	vmul.f32 v27, v27  }
0x82: {  	v50 =	vmul.f32 v28, v28;
	v33 =	vadd.f32 v48, v33;
	v39 =	vmul.f32 v39, v43  }
0x83: {  	v48 =	vmul.f32 v34, v1;
	v1 =	vmovc v21;
	v44 =	vadd.f32 v47, v44;
	v47 =	vmul.f32 v49, v41  }
0x84: {  	v51 =	vmul.f32 v34, v11;
	(xrf2) =	vadd.scan.msk.f32 $0xffff, v33;
	v52 =	vsub.f32 $1.500000000e+00, v39;
	v39 =	vmul.f32 v34, v2;
	v2 =	vmovc v15  }
.Ltmp0:
0x85: {  	v50 =	vadd.f32 v50, v44;
	v44 =	vmul.f32 v49, v47;
	[tilespmem:s24+$0xFFFFFF80] =	vst v48;
	v47 =	vmul.f32 v34, v13;
	(pc) =	sbr.rel @p0 .LBB2_3-.Ltmp0, $4  }
0x86: {  	v32 =	vmul.f32 v34, v32;
	v21 =	vmovc v36;
	v15 =	vmov v42;
	v33 =	vmul.f32 v52, v43;
	[tilespmem:s24+$0xFFFFFF90] =	vst v39  }
0x87: {  	v11 =	vmovc v17;
	v36 =	vmul.f32 v34, v35;
	v42 =	vmul.f32 v34, v38;
	(xrf2) =	vadd.scan.msk.f32 $0xffff, v50;
	v39 =	vsub.f32 $1.500000000e+00, v44  }
0x88: {  	v17 =	vmovc v46;
	v38 =	vmul.f32 v34, v45;
	v13 =	vmov v19;
	v40 =	vmul.f32 v33, v40;
	[tilespmem:s24+$0xFFFFFFA0] =	vst v51  }
0x89: {  	s28 =	sadd.s32 $0x100, s28;
	v19 =	vmovc v37;
	v35 =	vmul.f32 v33, v16;
	v16 =	vmov v31;
	v34 =	vmul.f32 v49, v39;
	[tilespmem:s24+$0xFFFFFFB0] =	vst v47  }
0x8a: {  	_ =	sdelay $0x3  }
0x8b: {  	v31, _, _ =	vpop (xrf2)  }
0x8c: {  	v31 =	vperm.xlane v31, v0;
	_ =	sdelay $0x1  }
0x8d: {  	v31 =	vmax.f32 v31, $1.000000020e-24  }
0x8e: {  	v37 =	vshra.s32 v31, $0x1;
	v31 =	vmul.f32 $5.000000000e-01, v31  }
0x8f: {  	v37 =	vsub.s32 $0x5F3759DF, v37  }
0x90: {  	[tilespmem:s23+$0x70] =	vst v40;
	v39 =	vmul.f32 v37, v31  }
0x91: {  	[tilespmem:s24+$0xFFFFFFC0] =	vst v32  }
0x92: {  	[tilespmem:s24+$0xFFFFFFD0] =	vst v42;
	v56 =	vmul.f32 v34, v41;
	v39 =	vmul.f32 v37, v39  }
0x93: {  	v4 =	vmul.f32 v33, v4;
	[tilespmem:s24+$0xFFFFFFE0] =	vst v36;
	v5 =	vmul.f32 v33, v5;
	v59, _, _ =	vpop (xrf2)  }
0x94: {  	[tilespmem:s24+$0xFFFFFFF0] =	vst v38;
	v58 =	vmul.f32 v56, v34;
	v61 =	vperm.xlane v59, v0;
	v57 =	vsub.f32 $1.500000000e+00, v39  }
0x95: {  	v3 =	vmul.f32 v33, v3;
	v6 =	vmul.f32 v33, v6;
	[tilespmem:s23+$0x0] =	vst v35  }
0x96: {  	[tilespmem:s23+$0x20] =	vst v5;
	v60 =	vsub.f32 $1.500000000e+00, v58;
	v5 =	vmax.f32 v61, $1.000000020e-24;
	v32 =	vmul.f32 v37, v57  }
0x97: {  	v8 =	vmul.f32 v33, v8;
	[tilespmem:s23+$0x30] =	vst v3;
	v3 =	vshra.s32 v5, $0x1;
	v5 =	vmul.f32 $5.000000000e-01, v5  }
0x98: {  	[tilespmem:s23+$0x10] =	vst v4;
	v3 =	vsub.s32 $0x5F3759DF, v3;
	v4 =	vmul.f32 v32, v31;
	v31 =	vmul.f32 v60, v34  }
0x99: {  	v7 =	vmul.f32 v33, v7;
	[tilespmem:s23+$0x40] =	vst v6;
	v6 =	vmul.f32 v3, v5  }
0x9a: {  	[tilespmem:s23+$0x50] =	vst v8;
	v4 =	vmul.f32 v4, v32;
	v2 =	vmul.f32 v31, v2  }
0x9b: {  	[tilespmem:s23+$0x60] =	vst v7;
	v6 =	vmul.f32 v3, v6;
	v7 =	vmul.f32 v31, v11  }
0x9c: {  	v1 =	vmul.f32 v31, v1;
	v4 =	vsub.f32 $1.500000000e+00, v4;
	[tilespmem:s23+$0xFFFFFF90] =	vst v2  }
0x9d: {  	v2 =	vsub.f32 $1.500000000e+00, v6;
	[tilespmem:s23+$0xFFFFFFA0] =	vst v7;
	v7 =	vmul.f32 v31, v12  }
0x9e: {  	[tilespmem:s23+$0xFFFFFF80] =	vst v1;
	v1 =	vmul.f32 v4, v32;
	v4 =	vmul.f32 v31, v13  }
0x9f: {  	v2 =	vmul.f32 v3, v2;
	v3 =	vmul.f32 v31, v10;
	[tilespmem:s23+$0xFFFFFFC0] =	vst v7  }
0xa0: {  	v6 =	vmul.f32 v1, v30;
	[tilespmem:s23+$0xFFFFFFB0] =	vst v4  }
0xa1: {  	v4 =	vmul.f32 v31, v9;
	[tilespmem:s23+$0xFFFFFFE0] =	vst v3  }
0xa2: {  	v5 =	vmul.f32 v2, v5;
	v3 =	vmul.f32 v1, v18;
	[tilespmem:s25+$0x70] =	vst v6  }
0xa3: {  	v6 =	vmul.f32 v31, v14;
	[tilespmem:s23+$0xFFFFFFD0] =	vst v4  }
0xa4: {  	v4 =	vmul.f32 v1, v16;
	v5 =	vmul.f32 v5, v2;
	[tilespmem:s25+$0x10] =	vst v3  }
0xa5: {  	v3 =	vmul.f32 v1, v23;
	[tilespmem:s23+$0xFFFFFFF0] =	vst v6  }
0xa6: {  	v6 =	vmul.f32 v1, v20;
	[tilespmem:s25+$0x0] =	vst v4;
	v5 =	vsub.f32 $1.500000000e+00, v5  }
0xa7: {  	v4 =	vmul.f32 v1, v22;
	[tilespmem:s25+$0x40] =	vst v3  }
0xa8: {  	[tilespmem:s25+$0x20] =	vst v6;
	v6 =	vmul.f32 v1, v25;
	v2 =	vmul.f32 v5, v2  }
0xa9: {  	[tilespmem:s25+$0x30] =	vst v4;
	v1 =	vmul.f32 v1, v29  }
0xaa: {  	[tilespmem:s25+$0x50] =	vst v6;
	v3 =	vmul.f32 v2, v21  }
0xab: {  	[tilespmem:s25+$0x60] =	vst v1;
	v1 =	vmul.f32 v2, v15  }
0xac: {  	v4 =	vmul.f32 v2, v17;
	[tilespmem:s25+$0xFFFFFF80] =	vst v3  }
0xad: {  	v3 =	vmul.f32 v2, v19;
	[tilespmem:s25+$0xFFFFFF90] =	vst v1  }
0xae: {  	v1 =	vmul.f32 v2, v24;
	[tilespmem:s25+$0xFFFFFFA0] =	vst v4  }
0xaf: {  	v4 =	vmul.f32 v2, v26;
	[tilespmem:s25+$0xFFFFFFB0] =	vst v3  }
0xb0: {  	v3 =	vmul.f32 v2, v27;
	[tilespmem:s25+$0xFFFFFFC0] =	vst v1  }
0xb1: {  	v1 =	vmul.f32 v2, v28;
	[tilespmem:s25+$0xFFFFFFD0] =	vst v4  }
0xb2: {  	s22 =	sshll.u32 s22, $0x4;
	[tilespmem:s25+$0xFFFFFFE0] =	vst v3  }
0xb3: {  	s21 =	sadd.s32 s21, s8;
	p0 =	seq.s32 s20, $0x7;
	s22 =	sadd.s32 s4, s22;
	[tilespmem:s25+$0xFFFFFFF0] =	vst v1  }
0xb4: {  	[hbm4b:s22+s6] =	stream.linear.scatter [tilespmem:s12], [sflag:$0x3], $0xC800, $0x38;
	[tilespmem:$0x19400] =	vst v63  }
0xb5: {  	s22 =	sshrl.u32 @!p0 s21, $0x3;
	_ =	swait.ge [sflag:s16], $0xC800  }
0xb6: {  	s22 =	sadd.s32 @!p0 s1, s22;
	[sflag:s16] =	ssyncset.done $0x0  }
0xb7: {  	s23 =	simm.s32 @!p0 $0x0;
	s22 =	sadd.s32 @!p0 $0x32, s22;
	[sflag:s16] =	ssyncadd.s32 $0xFFFF3800  }
0xb8: {  	[tilespmem:s23], [sflag:$0x5] =	stream.linear.gather @!p0 [hbm4b:s22+s23], $0x190, $0x38;
	[tilespmem:$0x19400] =	vst v63  }
0xb9: {  	s22 =	simm.s32 @!p0 $0x5  }
0xba: {  	_ =	swait.ge @!p0 [sflag:s22], $0x190  }
0xbb: {  	[sflag:s22] =	ssyncset.done @!p0 $0x0  }
0xbc: {  	s24 =	simm.s32 @!p0 $0x400;
	[sflag:s22] =	ssyncadd.s32 @!p0 $0xFFFFFE70;
	s22 =	simm.s32 @!p0 $0x190  }
0xbd: {  	[tilespmem:s24], [sflag:$0x1] =	stream.indirect.gather @!p0 [hbm4b:s3+s22], $0x80, s23, s22, $0xb8;
	[tilespmem:$0x19400] =	vst v63  }
0xbe: {  	_ =	swait.ge [sflag:s17], $0xC800  }
0xbf: {  	[sflag:s17] =	ssyncset.done $0x0  }
0xc0: {  	s23 =	simm.s32 $0xCC80;
	[sflag:s17] =	ssyncadd.s32 $0xFFFF3800  }
0xc1: {  	v15 =	vld [tilespmem:s23+$0x0]  }
0xc2: {  	v17 =	vld [tilespmem:s23+$0x10];
	_ =	sdelay $0x1  }
0xc3: {  	v21 =	vld [tilespmem:s23+$0x20];
	_ =	sdelay $0x1  }
0xc4: {  	v22 =	vld [tilespmem:s23+$0x30]  }
0xc5: {  	v1 =	vmul.f32 v15, v15;
	v2 =	vmul.f32 v17, v17  }
0xc6: {  	v23 =	vld [tilespmem:s23+$0x40]  }
0xc7: {  	v19 =	vld [tilespmem:s23+$0x50];
	v3 =	vmul.f32 v21, v21;
	v1 =	vadd.f32 v2, v1  }
0xc8: {  	v31 =	vld [tilespmem:s23+$0xFFFFFF90]  }
0xc9: {  	v33 =	vld [tilespmem:s23+$0xFFFFFF80];
	v2 =	vmul.f32 v22, v22;
	v1 =	vadd.f32 v3, v1  }
0xca: {  	v26 =	vld [tilespmem:s23+$0x60]  }
0xcb: {  	v18 =	vld [tilespmem:s23+$0x70];
	v1 =	vadd.f32 v2, v1;
	v2 =	vmul.f32 v23, v23  }
0xcc: {  	v34 =	vld [tilespmem:s23+$0xFFFFFFA0]  }
0xcd: {  	v1 =	vadd.f32 v2, v1;
	v2 =	vmul.f32 v19, v19  }
0xce: {  	v32 =	vld [tilespmem:s23+$0xFFFFFFB0];
	v4 =	vmul.f32 v31, v31;
	v3 =	vmul.f32 v33, v33  }
0xcf: {  	v1 =	vadd.f32 v2, v1;
	v2 =	vmul.f32 v26, v26  }
0xd0: {  	v35 =	vld [tilespmem:s23+$0xFFFFFFC0];
	v3 =	vadd.f32 v4, v3  }
0xd1: {  	v4 =	vmul.f32 v34, v34;
	v1 =	vadd.f32 v2, v1;
	v2 =	vmul.f32 v18, v18  }
0xd2: {  	v36 =	vld [tilespmem:s23+$0xFFFFFFD0]  }
0xd3: {  	v1 =	vadd.f32 v2, v1;
	v2 =	vadd.f32 v4, v3;
	v3 =	vmul.f32 v32, v32  }
0xd4: {  	v38 =	vld [tilespmem:s23+$0xFFFFFFE0]  }
0xd5: {  	s22 =	simm.s32 $0xCD80;
	v39 =	vld [tilespmem:s23+$0xFFFFFFF0];
	(xrf2) =	vadd.scan.msk.f32 $0xffff, v1;
	v1 =	vadd.f32 v3, v2;
	v2 =	vmul.f32 v35, v35  }
0xd6: {  	v37 =	vld [tilespmem:s22+$0x0]  }
0xd7: {  	v4 =	vld [tilespmem:s22+$0x10];
	v1 =	vadd.f32 v2, v1;
	v2 =	vmul.f32 v36, v36;
	_ =	sdelay $0x1  }
0xd8: {  	v5 =	vld [tilespmem:s22+$0x20];
	v1 =	vadd.f32 v2, v1;
	v2 =	vmul.f32 v38, v38;
	_ =	sdelay $0x1  }
0xd9: {  	v6 =	vmul.f32 v39, v39;
	v3 =	vld [tilespmem:s22+$0x30];
	v1 =	vadd.f32 v2, v1  }
0xda: {  	v7 =	vmul.f32 v4, v4;
	v2 =	vmul.f32 v37, v37  }
0xdb: {  	v1 =	vadd.f32 v6, v1  }
0xdc: {  	v10 =	vmul.f32 v5, v5;
	v6 =	vld [tilespmem:s22+$0x40];
	v7 =	vadd.f32 v7, v2  }
0xdd: {  	v2 =	vld [tilespmem:s22+$0xFFFFFF90];
	v8, _, _ =	vpop (xrf2);
	(xrf2) =	vadd.scan.msk.f32 $0xffff, v1  }
0xde: {  	v12 =	vmul.f32 v3, v3;
	v10 =	vadd.f32 v10, v7;
	v9 =	vperm.xlane v8, v0;
	v8 =	vld [tilespmem:s22+$0x50]  }
0xdf: {  	v1 =	vld [tilespmem:s22+$0xFFFFFF80]  }
0xe0: {  	v7 =	vld [tilespmem:s22+$0x60];
	v10 =	vadd.f32 v12, v10;
	v9 =	vmax.f32 v9, $1.000000020e-24  }
0xe1: {  	v11 =	vld [tilespmem:s22+$0xFFFFFFA0];
	v12 =	vmul.f32 v6, v6;
	v13 =	vshra.s32 v9, $0x1;
	v14 =	vmul.f32 $5.000000000e-01, v9  }
0xe2: {  	v40 =	vld [tilespmem:s22+$0x70];
	v24 =	vmul.f32 v2, v2;
	v9 =	vsub.s32 $0x5F3759DF, v13  }
0xe3: {  	v10 =	vadd.f32 v12, v10;
	v13 =	vld [tilespmem:s22+$0xFFFFFFB0];
	v16 =	vmul.f32 v9, v14;
	v12 =	vmul.f32 v8, v8  }
0xe4: {  	v20 =	vmul.f32 v1, v1  }
0xe5: {  	v25 =	vmul.f32 v7, v7;
	v16 =	vmul.f32 v9, v16;
	v10 =	vadd.f32 v12, v10  }
0xe6: {  	v27 =	vmul.f32 v11, v11;
	v20 =	vadd.f32 v24, v20  }
0xe7: {  	v12 =	vld [tilespmem:s22+$0xFFFFFFC0];
	v16 =	vsub.f32 $1.500000000e+00, v16;
	v24, _, _ =	vpop (xrf2);
	v10 =	vadd.f32 v25, v10;
	v25 =	vmul.f32 v40, v40  }
0xe8: {  	v20 =	vadd.f32 v27, v20;
	v27 =	vmul.f32 v13, v13;
	v24 =	vperm.xlane v24, v0  }
0xe9: {  	v16 =	vmul.f32 v9, v16;
	v9 =	vld [tilespmem:s22+$0xFFFFFFD0]  }
0xea: {  	v25 =	vadd.f32 v25, v10;
	v20 =	vadd.f32 v27, v20;
	v24 =	vmax.f32 v24, $1.000000020e-24  }
0xeb: {  	v14 =	vmul.f32 v16, v14;
	v27 =	vshra.s32 v24, $0x1;
	v24 =	vmul.f32 $5.000000000e-01, v24  }
0xec: {  	v10 =	vld [tilespmem:s22+$0xFFFFFFE0];
	(xrf2) =	vadd.scan.msk.f32 $0xffff, v25;
	v25 =	vmul.f32 v12, v12;
	v27 =	vsub.s32 $0x5F3759DF, v27  }
0xed: {  	v28 =	vmul.f32 v14, v16;
	v14 =	vld [tilespmem:s22+$0xFFFFFFF0];
	v29 =	vmul.f32 v27, v24  }
0xee: {  	v20 =	vadd.f32 v25, v20;
	v25 =	vmul.f32 v9, v9  }
0xef: {  	v28 =	vsub.f32 $1.500000000e+00, v28;
	v29 =	vmul.f32 v27, v29  }
0xf0: {  	v20 =	vadd.f32 v25, v20  }
0xf1: {  	s24 =	simm.s32 $0xCE80;
	v25 =	vmul.f32 v10, v10;
	v28 =	vmul.f32 v28, v16;
	v29 =	vsub.f32 $1.500000000e+00, v29  }
0xf2: {  	v16 =	vld [tilespmem:s24+$0x0];
	v30 =	vmul.f32 v14, v14  }
0xf3: {  	v25 =	vadd.f32 v25, v20;
	v20 =	vld [tilespmem:s24+$0x20];
	v41 =	vmul.f32 v28, v18;
	v42 =	vmul.f32 v27, v29  }
0xf4: {  	v18 =	vld [tilespmem:s24+$0x10];
	v43 =	vmul.f32 v28, v15;
	v44 =	vmul.f32 v28, v17  }
0xf5: {  	v45 =	vmul.f32 v28, v21;
	v15 =	vld [tilespmem:s24+$0xFFFFFF90];
	v46 =	vmul.f32 v28, v22  }
0xf6: {  	v47 =	vmul.f32 v28, v23;
	v22 =	vld [tilespmem:s24+$0x30];
	v48 =	vmul.f32 v28, v19;
	v25 =	vadd.f32 v30, v25  }
0xf7: {  	v21 =	vld [tilespmem:s24+$0xFFFFFF80];
	v55 =	vmul.f32 v28, v26;
	v24 =	vmul.f32 v42, v24;
	v17, _, _ =	vpop (xrf2)  }
0xf8: {  	v23 =	vld [tilespmem:s24+$0x40];
	(xrf2) =	vadd.scan.msk.f32 $0xffff, v25;
	v25 =	vperm.xlane v17, v0;
	v27 =	vmul.f32 v16, v16  }
0xf9: {  	v17 =	vld [tilespmem:s24+$0xFFFFFFA0];
	v30 =	vmul.f32 v24, v42;
	v49 =	vmul.f32 v20, v20  }
0xfa: {  	v19 =	vld [tilespmem:s24+$0xFFFFFFB0];
	v29 =	vmul.f32 v18, v18;
	v24 =	vmax.f32 v25, $1.000000020e-24;
	v51 =	vmul.f32 v15, v15  }
0xfb: {  	v25 =	vld [tilespmem:s24+$0x50];
	v62 =	vmul.f32 v22, v22;
	v50 =	vmul.f32 $5.000000000e-01, v24;
	v24 =	vshra.s32 v24, $0x1  }
0xfc: {  	v27 =	vadd.f32 v29, v27;
	v29 =	vmul.f32 v21, v21;
	v52 =	vsub.s32 $0x5F3759DF, v24;
	v24 =	vld [tilespmem:s24+$0xFFFFFFC0]  }
0xfd: {  	v28 =	vmul.f32 v23, v23;
	v61 =	vsub.f32 $1.500000000e+00, v30;
	v53 =	vmul.f32 v52, v50  }
0xfe: {  	v54 =	vmul.f32 v17, v17;
	v27 =	vadd.f32 v49, v27;
	v51 =	vadd.f32 v51, v29  }
0xff: {  	v60 =	vmul.f32 v19, v19;
	v29 =	vld [tilespmem:s24+$0x60];
	v63 =	vmul.f32 v52, v53  }
0x100: {  	v26 =	vld [tilespmem:s24+$0xFFFFFFD0];
	v27 =	vadd.f32 v62, v27;
	v51 =	vadd.f32 v54, v51;
	v54 =	vmul.f32 v61, v42  }
0x101: {  	v30 =	vld [tilespmem:s24+$0x70];
	v57 =	vmul.f32 v25, v25;
	v49 =	vsub.f32 $1.500000000e+00, v63;
	v62 =	vmul.f32 v24, v24  }
0x102: {  	[tilespmem:s23+$0x70] =	vst v41;
	v56 =	vadd.f32 v28, v27;
	v28, _, _ =	vpop (xrf2);
	v27 =	vld [tilespmem:s24+$0xFFFFFFE0];
	v51 =	vadd.f32 v60, v51;
	v33 =	vmul.f32 v54, v33  }
0x103: {  	[tilespmem:s23+$0x0] =	vst v43;
	v58 =	vperm.xlane v28, v0;
	v42 =	vmul.f32 v52, v49  }
0x104: {  	[tilespmem:s23+$0x10] =	vst v44;
	v28 =	vld [tilespmem:s24+$0xFFFFFFF0];
	v63 =	vmul.f32 v29, v29;
	v56 =	vadd.f32 v57, v56;
	v60 =	vadd.f32 v62, v51  }
0x105: {  	[tilespmem:s23+$0x20] =	vst v45;
	v62 =	vmul.f32 v26, v26;
	v61 =	vmax.f32 v58, $1.000000020e-24;
	v50 =	vmul.f32 v42, v50  }
0x106: {  	[tilespmem:s23+$0x30] =	vst v46;
	v43 =	vadd.f32 v63, v56;
	v63 =	vshra.s32 v61, $0x1;
	v56 =	vmul.f32 v30, v30  }
0x107: {  	[tilespmem:s23+$0x40] =	vst v47;
	v41 =	vmul.f32 $5.000000000e-01, v61;
	v49 =	vadd.f32 v62, v60;
	v57 =	vmul.f32 v27, v27  }
0x108: {  	[tilespmem:s23+$0x50] =	vst v48;
	v44 =	vsub.s32 $0x5F3759DF, v63;
	v50 =	vmul.f32 v50, v42;
	v43 =	vadd.f32 v56, v43  }
0x109: {  	[tilespmem:s23+$0x60] =	vst v55;
	v58 =	vmul.f32 v28, v28;
	v60 =	vmul.f32 v44, v41;
	v59 =	vadd.f32 v57, v49  }
0x10a: {  	v31 =	vmul.f32 v54, v31;
	v34 =	vmul.f32 v54, v34;
	v61 =	vsub.f32 $1.500000000e+00, v50;
	(xrf2) =	vadd.scan.msk.f32 $0xffff, v43  }
0x10b: {  	[tilespmem:s23+$0xFFFFFF80] =	vst v33;
	v63 =	vmul.f32 v54, v32;
	v62 =	vmul.f32 v44, v60;
	v46 =	vadd.f32 v58, v59  }
0x10c: {  	[tilespmem:s23+$0xFFFFFF90] =	vst v31;
	v32 =	vmul.f32 v54, v35;
	v33 =	vmul.f32 v61, v42  }
0x10d: {  	v42 =	vmul.f32 v54, v36;
	v36 =	vmul.f32 v54, v38;
	v31 =	vsub.f32 $1.500000000e+00, v62;
	(xrf2) =	vadd.scan.msk.f32 $0xffff, v46  }
0x10e: {  	[tilespmem:s23+$0xFFFFFFA0] =	vst v34;
	v38 =	vmul.f32 v54, v39;
	v40 =	vmul.f32 v33, v40  }
0x10f: {  	s26 =	simm.s32 $0xCF80;
	s25 =	simm.s32 $0x4;
	[tilespmem:s23+$0xFFFFFFB0] =	vst v63;
	v35 =	vmul.f32 v33, v37;
	v34 =	vmul.f32 v44, v31  }
.LBB2_5:
0x110: {  	v31 =	vld [tilespmem:s26+$0x0];
	v37 =	vmul.f32 v33, v4;
	v39 =	vmul.f32 v33, v5;
	[tilespmem:s22+$0x70] =	vst v40;
	v4 =	vmovc v18;
	v5 =	vmov v20  }
0x111: {  	s25 =	sadd.s32 $0x2, s25;
	v18 =	vld [tilespmem:s26+$0x10];
	v45 =	vmul.f32 v34, v41;
	v41 =	vmul.f32 v33, v3;
	[tilespmem:s23+$0xFFFFFFC0] =	vst v32;
	v3 =	vmovc v22;
	v32 =	vmov v12  }
0x112: {  	v43 =	vmul.f32 v33, v6;
	v44 =	vmul.f32 v33, v8;
	v6 =	vmovc v23;
	v8 =	vmov v25;
	p0 =	slt.u32 s25, $0x18E;
	v20 =	vld [tilespmem:s26+$0x20];
	[tilespmem:s23+$0xFFFFFFD0] =	vst v42  }
0x113: {  	v33 =	vmul.f32 v33, v7;
	v12 =	vmovc v24;
	v7 =	vmov v29;
	v42 =	vld [tilespmem:s26+$0xFFFFFF90];
	v23 =	vmul.f32 v45, v34;
	[tilespmem:s23+$0xFFFFFFE0] =	vst v36  }
0x114: {  	v40 =	vmov v30;
	v36 =	vld [tilespmem:s26+$0xFFFFFF80];
	v24, _, _ =	vpop (xrf2);
	[tilespmem:s23+$0xFFFFFFF0] =	vst v38;
	v38 =	vmov v9;
	v9 =	vmov v26;
	s23 =	smov.u32 s22;
	s22 =	smov.u32 s24;
	s24 =	smov.u32 s26  }
0x115: {  	v22 =	vld [tilespmem:s26+$0x30];
	v24 =	vperm.xlane v24, v0;
	v25 =	vsub.f32 $1.500000000e+00, v23;
	[tilespmem:s23+$0x0] =	vst v35;
	v35 =	vmovc v10;
	v10 =	vmovc v27;
	v45 =	vmov v14  }
0x116: {  	v26 =	vmul.f32 v31, v31;
	v14 =	vmov v28;
	v46 =	vld [tilespmem:s26+$0xFFFFFFA0];
	v27 =	vmul.f32 v18, v18;
	[tilespmem:s23+$0x10] =	vst v37  }
0x117: {  	v23 =	vld [tilespmem:s26+$0x40];
	v28 =	vmul.f32 v20, v20;
	v24 =	vmax.f32 v24, $1.000000020e-24;
	v30, _, _ =	vpop (xrf2);
	v34 =	vmul.f32 v25, v34;
	[tilespmem:s23+$0x20] =	vst v39  }
0x118: {  	v37 =	vld [tilespmem:s26+$0xFFFFFFB0];
	v26 =	vadd.f32 v27, v26;
	v27 =	vshra.s32 v24, $0x1;
	v39 =	vmul.f32 $5.000000000e-01, v24;
	[tilespmem:s23+$0x30] =	vst v41  }
0x119: {  	v41 =	vmul.f32 v42, v42;
	v29 =	vmul.f32 v36, v36;
	v25 =	vld [tilespmem:s26+$0x50];
	v47 =	vsub.s32 $0x5F3759DF, v27;
	[tilespmem:s23+$0x40] =	vst v43  }
0x11a: {  	v24 =	vld [tilespmem:s26+$0xFFFFFFC0];
	v27 =	vadd.f32 v28, v26;
	v28 =	vmul.f32 v22, v22;
	v43 =	vmul.f32 v47, v39;
	[tilespmem:s23+$0x50] =	vst v44  }
0x11b: {  	v48 =	vperm.xlane v30, v0;
	v41 =	vadd.f32 v41, v29;
	v44 =	vmul.f32 v46, v46;
	v29 =	vld [tilespmem:s26+$0x60];
	[tilespmem:s23+$0x60] =	vst v33  }
0x11c: {  	v26 =	vld [tilespmem:s26+$0xFFFFFFD0];
	v28 =	vadd.f32 v28, v27;
	v33 =	vmul.f32 v23, v23;
	v43 =	vmul.f32 v47, v43  }
0x11d: {  	v48 =	vmax.f32 v48, $1.000000020e-24;
	v41 =	vadd.f32 v44, v41;
	v44 =	vmul.f32 v37, v37;
	v30 =	vld [tilespmem:s26+$0x70]  }
0x11e: {  	v27 =	vld [tilespmem:s26+$0xFFFFFFE0];
	v33 =	vadd.f32 v33, v28;
	v49 =	vmul.f32 v25, v25;
	v43 =	vsub.f32 $1.500000000e+00, v43  }
0x11f: {  	v50 =	vshra.s32 v48, $0x1;
	v28 =	vld [tilespmem:s26+$0xFFFFFFF0];
	v41 =	vadd.f32 v44, v41;
	v44 =	vmul.f32 v24, v24  }
0x120: {  	v33 =	vadd.f32 v49, v33;
	v49 =	vmul.f32 v29, v29;
	v43 =	vmul.f32 v47, v43  }
0x121: {  	v44 =	vadd.f32 v44, v41;
	v47 =	vmul.f32 v26, v26;
	v41 =	vmul.f32 $5.000000000e-01, v48  }
0x122: {  	v33 =	vadd.f32 v49, v33;
	v48 =	vmul.f32 v30, v30;
	v39 =	vmul.f32 v43, v39  }
0x123: {  	v49 =	vsub.s32 $0x5F3759DF, v50;
	v44 =	vadd.f32 v47, v44;
	v47 =	vmul.f32 v27, v27  }
0x124: {  	v50 =	vmul.f32 v28, v28;
	v33 =	vadd.f32 v48, v33;
	v39 =	vmul.f32 v39, v43  }
0x125: {  	v48 =	vmul.f32 v34, v1;
	v1 =	vmovc v21;
	v44 =	vadd.f32 v47, v44;
	v47 =	vmul.f32 v49, v41  }
0x126: {  	v51 =	vmul.f32 v34, v11;
	(xrf2) =	vadd.scan.msk.f32 $0xffff, v33;
	v52 =	vsub.f32 $1.500000000e+00, v39;
	v39 =	vmul.f32 v34, v2;
	v2 =	vmovc v15  }
.Ltmp1:
0x127: {  	v50 =	vadd.f32 v50, v44;
	v44 =	vmul.f32 v49, v47;
	[tilespmem:s23+$0xFFFFFF80] =	vst v48;
	v47 =	vmul.f32 v34, v13;
	(pc) =	sbr.rel @p0 .LBB2_5-.Ltmp1, $4  }
0x128: {  	v32 =	vmul.f32 v34, v32;
	v21 =	vmovc v36;
	v15 =	vmov v42;
	v33 =	vmul.f32 v52, v43;
	[tilespmem:s23+$0xFFFFFF90] =	vst v39  }
0x129: {  	v11 =	vmovc v17;
	v36 =	vmul.f32 v34, v35;
	v42 =	vmul.f32 v34, v38;
	(xrf2) =	vadd.scan.msk.f32 $0xffff, v50;
	v39 =	vsub.f32 $1.500000000e+00, v44  }
0x12a: {  	v17 =	vmovc v46;
	v38 =	vmul.f32 v34, v45;
	v13 =	vmov v19;
	v40 =	vmul.f32 v33, v40;
	[tilespmem:s23+$0xFFFFFFA0] =	vst v51  }
0x12b: {  	s26 =	sadd.s32 $0x100, s26;
	v19 =	vmovc v37;
	v35 =	vmul.f32 v33, v16;
	v16 =	vmov v31;
	v34 =	vmul.f32 v49, v39;
	[tilespmem:s23+$0xFFFFFFB0] =	vst v47  }
0x12c: {  	_ =	sdelay $0x3  }
0x12d: {  	v31, _, _ =	vpop (xrf2)  }
0x12e: {  	v31 =	vperm.xlane v31, v0;
	_ =	sdelay $0x1  }
0x12f: {  	v31 =	vmax.f32 v31, $1.000000020e-24  }
0x130: {  	[tilespmem:s22+$0x70] =	vst v40;
	v37 =	vshra.s32 v31, $0x1;
	v31 =	vmul.f32 $5.000000000e-01, v31  }
0x131: {  	[tilespmem:s23+$0xFFFFFFC0] =	vst v32;
	v45 =	vmul.f32 v34, v41;
	v37 =	vsub.s32 $0x5F3759DF, v37  }
0x132: {  	[tilespmem:s23+$0xFFFFFFD0] =	vst v42;
	v39 =	vmul.f32 v37, v31  }
0x133: {  	[tilespmem:s23+$0xFFFFFFE0] =	vst v36;
	v32 =	vmul.f32 v45, v34  }
0x134: {  	v4 =	vmul.f32 v33, v4;
	[tilespmem:s23+$0xFFFFFFF0] =	vst v38;
	v46, _, _ =	vpop (xrf2);
	v39 =	vmul.f32 v37, v39  }
0x135: {  	v5 =	vmul.f32 v33, v5;
	[tilespmem:s22+$0x0] =	vst v35;
	v32 =	vsub.f32 $1.500000000e+00, v32;
	v47 =	vperm.xlane v46, v0  }
0x136: {  	v3 =	vmul.f32 v33, v3;
	v6 =	vmul.f32 v33, v6;
	[tilespmem:s22+$0x10] =	vst v4;
	v39 =	vsub.f32 $1.500000000e+00, v39  }
0x137: {  	v8 =	vmul.f32 v33, v8;
	[tilespmem:s22+$0x20] =	vst v5;
	v49 =	vmul.f32 v32, v34;
	v50 =	vmax.f32 v47, $1.000000020e-24  }
0x138: {  	[tilespmem:s22+$0x30] =	vst v3;
	v3 =	vshra.s32 v50, $0x1;
	v5 =	vmul.f32 $5.000000000e-01, v50;
	v37 =	vmul.f32 v37, v39  }
0x139: {  	v7 =	vmul.f32 v33, v7;
	[tilespmem:s22+$0x40] =	vst v6;
	v1 =	vmul.f32 v49, v1;
	v3 =	vsub.s32 $0x5F3759DF, v3  }
0x13a: {  	[tilespmem:s22+$0x50] =	vst v8;
	v51 =	vmul.f32 v3, v5;
	v48 =	vmul.f32 v37, v31  }
0x13b: {  	[tilespmem:s22+$0x60] =	vst v7;
	v2 =	vmul.f32 v49, v2;
	v52 =	vmul.f32 v49, v11  }
0x13c: {  	[tilespmem:s22+$0xFFFFFF80] =	vst v1;
	v6 =	vmul.f32 v3, v51;
	v4 =	vmul.f32 v48, v37  }
0x13d: {  	v53 =	vmul.f32 v49, v13;
	[tilespmem:s22+$0xFFFFFF90] =	vst v2  }
0x13e: {  	v55 =	vmul.f32 v49, v12;
	[tilespmem:s22+$0xFFFFFFA0] =	vst v52;
	v2 =	vsub.f32 $1.500000000e+00, v6;
	v4 =	vsub.f32 $1.500000000e+00, v4  }
0x13f: {  	v56 =	vmul.f32 v49, v9;
	v57 =	vmul.f32 v49, v14;
	[tilespmem:s22+$0xFFFFFFB0] =	vst v53  }
0x140: {  	[tilespmem:s22+$0xFFFFFFC0] =	vst v55;
	v2 =	vmul.f32 v3, v2;
	v1 =	vmul.f32 v4, v37  }
0x141: {  	[tilespmem:s22+$0xFFFFFFD0] =	vst v56;
	v3 =	vmul.f32 v49, v10  }
0x142: {  	[tilespmem:s22+$0xFFFFFFF0] =	vst v57;
	v5 =	vmul.f32 v2, v5;
	v54 =	vmul.f32 v1, v30  }
0x143: {  	[tilespmem:s22+$0xFFFFFFE0] =	vst v3;
	v58 =	vmul.f32 v1, v16  }
0x144: {  	v5 =	vmul.f32 v5, v2;
	v3 =	vmul.f32 v1, v18;
	[tilespmem:s24+$0x70] =	vst v54  }
0x145: {  	v59 =	vmul.f32 v1, v20;
	[tilespmem:s24+$0x0] =	vst v58  }
0x146: {  	v5 =	vsub.f32 $1.500000000e+00, v5;
	v60 =	vmul.f32 v1, v22;
	[tilespmem:s24+$0x10] =	vst v3  }
0x147: {  	v61 =	vmul.f32 v1, v25;
	[tilespmem:s24+$0x20] =	vst v59  }
0x148: {  	v2 =	vmul.f32 v5, v2;
	v3 =	vmul.f32 v1, v23;
	[tilespmem:s24+$0x30] =	vst v60  }
0x149: {  	v1 =	vmul.f32 v1, v29;
	[tilespmem:s24+$0x50] =	vst v61  }
0x14a: {  	v62 =	vmul.f32 v2, v17;
	[tilespmem:s24+$0x40] =	vst v3  }
0x14b: {  	v63 =	vmul.f32 v2, v26;
	[tilespmem:s24+$0x60] =	vst v1  }
0x14c: {  	v3 =	vmul.f32 v2, v21;
	[tilespmem:s24+$0xFFFFFFA0] =	vst v62  }
0x14d: {  	v1 =	vmul.f32 v2, v15;
	[tilespmem:s24+$0xFFFFFFD0] =	vst v63  }
0x14e: {  	s20 =	sadd.s32 $0x1, s20;
	[tilespmem:s24+$0xFFFFFF80] =	vst v3;
	v3 =	vmul.f32 v2, v19  }
0x14f: {  	p0 =	sne.s32 s20, $0x8;
	[tilespmem:s24+$0xFFFFFF90] =	vst v1;
	v1 =	vmul.f32 v2, v24  }
.Ltmp2:
0x150: {  	[tilespmem:s24+$0xFFFFFFB0] =	vst v3;
	v3 =	vmul.f32 v2, v27;
	(pc) =	sbr.rel @p0 .LBB2_2-.Ltmp2, $4  }
0x151: {  	[tilespmem:s24+$0xFFFFFFC0] =	vst v1;
	v1 =	vmul.f32 v2, v28  }
0x152: {  	s21 =	sshll.u32 s21, $0x4;
	[tilespmem:s24+$0xFFFFFFE0] =	vst v3  }
0x153: {  	s21 =	sadd.s32 s4, s21;
	[tilespmem:s24+$0xFFFFFFF0] =	vst v1  }
0x154: {  	[hbm4b:s21+s6] =	stream.linear.scatter [tilespmem:s14], [sflag:$0x4], $0xC800, $0x38;
	[tilespmem:$0x19400] =	vst v63  }
0x155: {  	s19 =	sadd.s32 $0x1, s19  }
0x156: {  	p0 =	sne.s32 s19, s9  }
.Ltmp3:
0x157: {  	_ = 	snop;
	(pc) =	sbr.rel @p0 .LBB2_1-.Ltmp3, $4  }
0x158: {  	_ = 	snop  }
0x159: {  	_ =	swait.ge [sflag:s18], $0xC800  }
0x15a: {  	[sflag:s18] =	ssyncset.done $0x0  }
0x15b: {  	[sflag:s18] =	ssyncadd.s32 $0xFFFF3800  }
0x15c: {  	_ =	sfence.sel $0x180000  }
0x15d: {  	[bflag:$0x0] =	sbarrier.arrive $0xFFFF  }
0x15e: {  	p0 =	sne.s32 s0, $0x0;
	_ =	strace $0x90000047  }
0x15f: {  	s0 =	sadd.s32 @!p0 $0x100000, s2;
	[bflag:$0x2] =	sbarrier.arrive $0xFFFF  }
0x160: {  	[sflag:s0] =	ssyncadd.tile.s32 @!p0 $0x1;
	_ =	shalt  }
.Lfunc_end2:
_tile_overlayer_lowered:
.L_overlay_start_2:
0x161: {  	(tag) =	ssettag $0x2  }
0x162: {  	s0 =	rddreg [dreg:$0x0];
	s2 =	stileid.u32  }
0x163: {  	s1 =	rddreg [dreg:$0x1];
	p0 =	sne.s32 s2, $0x0  }
0x164: {  	s3 =	rddreg [dreg:$0x2];
	[bflag:$0x3] =	sbarrier.arrive $0xFFFF;
	s2 =	simm.s32 @!p0 $0x1C05  }
0x165: {  	[timem:s3], [sflag:s2] =	dma.local @!p0 [hbm:s0], s1  }
0x166: {  	s0 =	simm.s32 @!p0 $0x5  }
0x167: {  	_ =	swait.ge @!p0 [sflag:s0], s1  }
0x168: {  	s1 =	ssub.s32 @!p0 $0x0, s1;
	[sflag:s0] =	ssyncset.done @!p0 $0x0  }
0x169: {  	[sflag:s0] =	ssyncadd.s32 @!p0 s1  }
0x16a: {  	[bflag:$0x3] =	sbarrier.arrive $0xFFFF  }
0x16b: {  	_ =	shalt  }

</sc_bundles>
